<compile_context>
chip_gen: v7x
topology: tpu7x:2x2x1
jax: 0.10.2.dev20260603
libtpu: 0.0.44.dev20260713+nightly
codegen_flags: <defaults>
</compile_context>

<pallas_src>
import functools

import jax
import jax.numpy as jnp
from jax import lax
from jax.experimental import pallas as pl
from jax.experimental.pallas import tpu as pltpu
from jax.experimental.pallas import tpu_sc as plsc

_B, _C1, _HW = 16, 3, 224
_E, _TOPK = 8, 2
_C2 = 96
_H56 = 56
_NPAD = _H56 * _H56
_HO = 55
_NF = _HO * _H56
_K = 192
_SHIFTS = (0, 1, _H56, _H56 + 1)


def _route_body(logits_hbm, idx_hbm, gates_hbm, logits_v, idx_v, gates_v):
    wid = lax.axis_index("s") * 2 + lax.axis_index("c")

    @pl.when(wid == 0)
    def _():
        pltpu.sync_copy(logits_hbm, logits_v)
        neg = jnp.full((16,), -3e38, jnp.float32)
        m1, m2 = neg, neg
        i1 = jnp.zeros((16,), jnp.int32)
        i2 = jnp.zeros((16,), jnp.int32)
        for e in range(_E):
            v = logits_v[e, :]
            ei = jnp.full((16,), e, jnp.int32)
            gt1 = v > m1
            gt2 = v > m2
            m2 = jnp.where(gt1, m1, jnp.where(gt2, v, m2))
            i2 = jnp.where(gt1, i1, jnp.where(gt2, ei, i2))
            m1 = jnp.where(gt1, v, m1)
            i1 = jnp.where(gt1, ei, i1)
        d = jnp.exp(m2 - m1)
        den = 1.0 + d
        g1 = 1.0 / den
        g2 = d / den
        idx_v[pl.ds(0, 16)] = i1
        idx_v[pl.ds(16, 16)] = i2
        gates_v[pl.ds(0, 16)] = g1
        gates_v[pl.ds(16, 16)] = g2
        pltpu.sync_copy(idx_v, idx_hbm)
        pltpu.sync_copy(gates_v, gates_hbm)


_TILE = 896
_NT = 4


def _moe_body(idx_ref, g_ref, xs_ref, w1_ref, w2_ref, p1_ref, p2_ref,
              out_ref, rhs):
    b = pl.program_id(0)
    wcat = jnp.concatenate([w1_ref[0], w2_ref[0]], axis=0)
    for t0 in range(_NT):
        c0 = t0 * _TILE
        w = min(_NF - c0, _TILE)
        for t, s in enumerate(_SHIFTS):
            wr = min(w, _NPAD - c0 - s)
            rhs[t * 48:(t + 1) * 48, :wr] = xs_ref[0, :, c0 + s:c0 + s + wr]
        acc = lax.dot_general(wcat, rhs[:, :w], (((1,), (0,)), ((), ())),
                              preferred_element_type=jnp.float32)
        out = None
        for h, (p_ref, goff) in enumerate(((p1_ref, 0), (p2_ref, _B))):
            y = acc[h * _C2:(h + 1) * _C2, :] + p_ref[0, :, 0:1]
            u = jnp.mean(y, axis=0, keepdims=True)
            dlt = y - u
            var = jnp.mean(dlt * dlt, axis=0, keepdims=True)
            yn = dlt * lax.rsqrt(var + 1e-6)
            yn = yn * p_ref[0, :, 1:2] + p_ref[0, :, 2:3]
            gate = g_ref[goff + b]
            out = yn * gate if out is None else out + yn * gate
        out_ref[0, :, c0:c0 + w] = out


@functools.cache
def _route_call():
    return functools.partial(
        pl.kernel,
        out_type=(jax.ShapeDtypeStruct((2 * _B,), jnp.int32),
                  jax.ShapeDtypeStruct((2 * _B,), jnp.float32)),
        mesh=plsc.VectorSubcoreMesh(core_axis_name="c", subcore_axis_name="s"),
        scratch_types=[
            pltpu.VMEM((_E, _B), jnp.float32),
            pltpu.VMEM((2 * _B,), jnp.int32),
            pltpu.VMEM((2 * _B,), jnp.float32),
        ],
    )(_route_body)


def _moe_call(top_idx, gates, xs2, wt, prm):
    grid_spec = pltpu.PrefetchScalarGridSpec(
        num_scalar_prefetch=2,
        grid=(_B,),
        in_specs=[
            pl.BlockSpec((1, 48, _NPAD), lambda b, idx, g: (b, 0, 0)),
            pl.BlockSpec((1, _C2, _K), lambda b, idx, g: (idx[b], 0, 0)),
            pl.BlockSpec((1, _C2, _K), lambda b, idx, g: (idx[_B + b], 0, 0)),
            pl.BlockSpec((1, _C2, 3), lambda b, idx, g: (idx[b], 0, 0)),
            pl.BlockSpec((1, _C2, 3), lambda b, idx, g: (idx[_B + b], 0, 0)),
        ],
        out_specs=pl.BlockSpec((1, _C2, _NF), lambda b, idx, g: (b, 0, 0)),
        scratch_shapes=[pltpu.VMEM((_K, _TILE), jnp.float32)],
    )
    return pl.pallas_call(
        _moe_body,
        grid_spec=grid_spec,
        out_shape=jax.ShapeDtypeStruct((_B, _C2, _NF), jnp.float32),
        compiler_params=pltpu.CompilerParams(
            dimension_semantics=("arbitrary",)),
    )(top_idx, gates, xs2, wt, wt, prm, prm)


def kernel(x, w_gate, proj_w, proj_b, ln_w, ln_b):
    xr = x.reshape(_B, _C1, _H56, 4, _H56, 4)
    xr = xr.transpose(0, 1, 3, 5, 2, 4)
    xs2 = xr.reshape(_B, 48, _NPAD)

    wp = jnp.pad(proj_w, ((0, 0), (0, 0), (0, 0), (0, 1), (0, 1)))
    wt = wp.reshape(_E, _C2, _C1, 2, 4, 2, 4)
    wt = wt.transpose(0, 1, 3, 5, 2, 4, 6).reshape(_E, _C2, _K)

    prm = jnp.stack([proj_b, ln_w, ln_b], axis=-1)

    pooled = x.mean(axis=(2, 3))
    logits = (pooled @ w_gate).T
    top_idx, gates = _route_call()(logits)
    yf = _moe_call(top_idx, gates, xs2, wt, prm)
    return yf.reshape(_B, _C2, _HO, _H56)[..., :_HO]

# --- scband reference (transcript-rebuilt; emitter-appended) ---
"""Pipeline reference for scband-all-in-one-lora-88424786690153 (READ-ONLY COPY).

The authoritative reference and input builder live on the scoring server;
editing this copy changes nothing except your own understanding.
"""

import jax, jax.numpy as jnp
import numpy as np

B, C1, HW = 16, 3, 224
E, TOPK = 8, 2
C2, P, S = 96, 7, 4
HOUT = (HW - P) // S + 1


def setup_inputs(seed: int = 0) -> dict:
    key = jax.random.key(seed)
    ks = jax.random.split(key, 6)
    x = jax.random.normal(ks[0], (B, C1, HW, HW), dtype=jnp.float32)
    w_gate = jax.random.normal(ks[1], (C1, E), dtype=jnp.float32)
    proj_w = jax.random.normal(ks[2], (E, C2, C1, P, P), dtype=jnp.float32) * 0.02
    proj_b = jnp.zeros((E, C2), dtype=jnp.float32)
    ln_w = jnp.ones((E, C2), dtype=jnp.float32)
    ln_b = jnp.zeros((E, C2), dtype=jnp.float32)
    return {"x": x, "w_gate": w_gate, "proj_w": proj_w, "proj_b": proj_b, "ln_w": ln_w, "ln_b": ln_b}


def _expert(x, w, b, g, be):
    # PatchEmbedParallel: Conv2d(c1, c2, patch_size=7, stride=4, padding=0) + channel-first LayerNorm
    y = jax.lax.conv_general_dilated(x, w, (S, S), 'VALID', dimension_numbers=('NCHW', 'OIHW', 'NCHW'))
    y = y + b[None, :, None, None]
    u = y.mean(axis=1, keepdims=True)
    s = ((y - u) ** 2).mean(axis=1, keepdims=True)
    y = (y - u) / jnp.sqrt(s + 1e-6)
    return g[None, :, None, None] * y + be[None, :, None, None]


def reference(x, w_gate, proj_w, proj_b, ln_w, ln_b):
    # top-k gating (non-noisy, eval mode): gate logits from globally pooled features
    pooled = x.mean(axis=(2, 3))                      # [B, C1]
    logits = pooled @ w_gate                           # [B, E]
    top_vals, top_idx = jax.lax.top_k(logits, TOPK)    # [B, k]
    top_gates = jax.nn.softmax(top_vals, axis=-1)      # [B, k]
    gates = jnp.zeros((B, E), dtype=x.dtype).at[jnp.arange(B)[:, None], top_idx].set(top_gates)
    # SparseDispatcher dispatch/combine is mathematically equivalent to
    # sum_e gates[:, e] * expert_e(x)  (zero gates contribute zero)
    out = jnp.zeros((B, C2, HOUT, HOUT), dtype=x.dtype)
    for e in range(E):
        ye = _expert(x, proj_w[e], proj_b[e], ln_w[e], ln_b[e])
        out = out + ye * gates[:, e][:, None, None, None]
    return out

if __name__ == "__main__":
    import jax
    _d = setup_inputs()
    print(jax.jit(kernel)(*tuple(_d.values())))

</pallas_src>

<mosaic_0001>
#map = affine_map<(d0, d1) -> (0, 0)>
#map1 = affine_map<(d0, d1) -> (0)>
module attributes {stable_mosaic.version = 14 : i64} {
  func.func @_route_body(%arg0: i32, %arg1: i32, %arg2: memref<8x16xf32, #tpu.memory_space<hbm>>, %arg3: memref<32xi32, #tpu.memory_space<hbm>>, %arg4: memref<32xf32, #tpu.memory_space<hbm>>, %arg5: memref<8x16xf32, #tpu.memory_space<vmem>>, %arg6: memref<32xi32, #tpu.memory_space<vmem>>, %arg7: memref<32xf32, #tpu.memory_space<vmem>>) attributes {dimension_semantics = [#tpu.dimension_semantics<core_parallel>, #tpu.dimension_semantics<subcore_parallel>], iteration_bounds = array<i64: 2, 16>, scalar_prefetch = 0 : i64, scratch_operands = 3 : i64, tpu.core_type = #tpu.core_type<sc_vector_subcore>, window_params = [{transform_indices = #map}, {transform_indices = #map1}, {transform_indices = #map1}]} {
    %mul3A = arith.constant 2 : i32
    %mul3A_0 = arith.muli %arg1, %mul3A : i32
    %add3A = arith.addi %mul3A_0, %arg0 : i32
    %eq3A = arith.constant 0 : i32
    %eq3A_1 = arith.cmpi eq, %add3A, %eq3A : i32
    %convert_element_type3A = arith.extui %eq3A_1 : i1 to i32
    %cond3A = arith.constant 0 : i32
    %cond3A_2 = arith.cmpi ne, %convert_element_type3A, %cond3A : i32
    scf.if %cond3A_2 {
      "tpu.region"() ({
        %run_scoped3A = tpu.sem_alloc : memref<!tpu.dma_semaphore, #tpu.memory_space<semaphore_mem>>
        tpu.enqueue_dma source(%arg2 : memref<8x16xf32, #tpu.memory_space<hbm>>) target(%arg5 : memref<8x16xf32, #tpu.memory_space<vmem>>) target_semaphore(%run_scoped3A : memref<!tpu.dma_semaphore, #tpu.memory_space<semaphore_mem>>)
        tpu.wait_dma2 semaphore(%run_scoped3A : memref<!tpu.dma_semaphore, #tpu.memory_space<semaphore_mem>>) src(%arg2 : memref<8x16xf32, #tpu.memory_space<hbm>>) dst(%arg5 : memref<8x16xf32, #tpu.memory_space<vmem>>)
        tpu.yield
      }) : () -> ()
      %broadcast_in_dim3A = arith.constant -3.000000e+38 : f32
      %broadcast_in_dim3A_3 = vector.broadcast %broadcast_in_dim3A : f32 to vector<16xf32>
      %broadcast_in_dim3A_4 = arith.constant 0 : i32
      %broadcast_in_dim3A_5 = vector.broadcast %broadcast_in_dim3A_4 : i32 to vector<16xi32>
      %broadcast_in_dim3A_6 = arith.constant 0 : i32
      %broadcast_in_dim3A_7 = vector.broadcast %broadcast_in_dim3A_6 : i32 to vector<16xi32>
      %get3A = arith.constant 0 : i32
      %get3A_8 = arith.index_cast %get3A : i32 to index
      %get3A_9 = arith.constant 0 : index
      %get3A_10 = tpu.vector_load %arg5[%get3A_8, %get3A_9] {strides = array<i32>} : memref<8x16xf32, #tpu.memory_space<vmem>>, vector<1x16xf32>,
      %get3A_11 = vector.shape_cast %get3A_10 : vector<1x16xf32> to vector<16xf32>
      %broadcast_in_dim3A_12 = arith.constant 0 : i32
      %broadcast_in_dim3A_13 = vector.broadcast %broadcast_in_dim3A_12 : i32 to vector<16xi32>
      %gt3A = arith.cmpf ogt, %get3A_11, %broadcast_in_dim3A_3 : vector<16xf32>
      %gt3A_14 = arith.cmpf ogt, %get3A_11, %broadcast_in_dim3A_3 : vector<16xf32>
      %select_n3A = arith.select %gt3A_14, %get3A_11, %broadcast_in_dim3A_3 : vector<16xi1>, vector<16xf32>
      %select_n3A_15 = arith.select %gt3A, %broadcast_in_dim3A_3, %select_n3A : vector<16xi1>, vector<16xf32>
      %select_n3A_16 = arith.select %gt3A_14, %broadcast_in_dim3A_13, %broadcast_in_dim3A_7 : vector<16xi1>, vector<16xi32>
      %select_n3A_17 = arith.select %gt3A, %broadcast_in_dim3A_5, %select_n3A_16 : vector<16xi1>, vector<16xi32>
      %select_n3A_18 = arith.select %gt3A, %get3A_11, %broadcast_in_dim3A_3 : vector<16xi1>, vector<16xf32>
      %select_n3A_19 = arith.select %gt3A, %broadcast_in_dim3A_13, %broadcast_in_dim3A_5 : vector<16xi1>, vector<16xi32>
      %get3A_20 = arith.constant 1 : i32
      %get3A_21 = arith.index_cast %get3A_20 : i32 to index
      %get3A_22 = arith.constant 0 : index
      %get3A_23 = tpu.vector_load %arg5[%get3A_21, %get3A_22] {strides = array<i32>} : memref<8x16xf32, #tpu.memory_space<vmem>>, vector<1x16xf32>,
      %get3A_24 = vector.shape_cast %get3A_23 : vector<1x16xf32> to vector<16xf32>
      %broadcast_in_dim3A_25 = arith.constant 1 : i32
      %broadcast_in_dim3A_26 = vector.broadcast %broadcast_in_dim3A_25 : i32 to vector<16xi32>
      %gt3A_27 = arith.cmpf ogt, %get3A_24, %select_n3A_18 : vector<16xf32>
      %gt3A_28 = arith.cmpf ogt, %get3A_24, %select_n3A_15 : vector<16xf32>
      %select_n3A_29 = arith.select %gt3A_28, %get3A_24, %select_n3A_15 : vector<16xi1>, vector<16xf32>
      %select_n3A_30 = arith.select %gt3A_27, %select_n3A_18, %select_n3A_29 : vector<16xi1>, vector<16xf32>
      %select_n3A_31 = arith.select %gt3A_28, %broadcast_in_dim3A_26, %select_n3A_17 : vector<16xi1>, vector<16xi32>
      %select_n3A_32 = arith.select %gt3A_27, %select_n3A_19, %select_n3A_31 : vector<16xi1>, vector<16xi32>
      %select_n3A_33 = arith.select %gt3A_27, %get3A_24, %select_n3A_18 : vector<16xi1>, vector<16xf32>
      %select_n3A_34 = arith.select %gt3A_27, %broadcast_in_dim3A_26, %select_n3A_19 : vector<16xi1>, vector<16xi32>
      %get3A_35 = arith.constant 2 : i32
      %get3A_36 = arith.index_cast %get3A_35 : i32 to index
      %get3A_37 = arith.constant 0 : index
      %get3A_38 = tpu.vector_load %arg5[%get3A_36, %get3A_37] {strides = array<i32>} : memref<8x16xf32, #tpu.memory_space<vmem>>, vector<1x16xf32>,
      %get3A_39 = vector.shape_cast %get3A_38 : vector<1x16xf32> to vector<16xf32>
      %broadcast_in_dim3A_40 = arith.constant 2 : i32
      %broadcast_in_dim3A_41 = vector.broadcast %broadcast_in_dim3A_40 : i32 to vector<16xi32>
      %gt3A_42 = arith.cmpf ogt, %get3A_39, %select_n3A_33 : vector<16xf32>
      %gt3A_43 = arith.cmpf ogt, %get3A_39, %select_n3A_30 : vector<16xf32>
      %select_n3A_44 = arith.select %gt3A_43, %get3A_39, %select_n3A_30 : vector<16xi1>, vector<16xf32>
      %select_n3A_45 = arith.select %gt3A_42, %select_n3A_33, %select_n3A_44 : vector<16xi1>, vector<16xf32>
      %select_n3A_46 = arith.select %gt3A_43, %broadcast_in_dim3A_41, %select_n3A_32 : vector<16xi1>, vector<16xi32>
      %select_n3A_47 = arith.select %gt3A_42, %select_n3A_34, %select_n3A_46 : vector<16xi1>, vector<16xi32>
      %select_n3A_48 = arith.select %gt3A_42, %get3A_39, %select_n3A_33 : vector<16xi1>, vector<16xf32>
      %select_n3A_49 = arith.select %gt3A_42, %broadcast_in_dim3A_41, %select_n3A_34 : vector<16xi1>, vector<16xi32>
      %get3A_50 = arith.constant 3 : i32
      %get3A_51 = arith.index_cast %get3A_50 : i32 to index
      %get3A_52 = arith.constant 0 : index
      %get3A_53 = tpu.vector_load %arg5[%get3A_51, %get3A_52] {strides = array<i32>} : memref<8x16xf32, #tpu.memory_space<vmem>>, vector<1x16xf32>,
      %get3A_54 = vector.shape_cast %get3A_53 : vector<1x16xf32> to vector<16xf32>
      %broadcast_in_dim3A_55 = arith.constant 3 : i32
      %broadcast_in_dim3A_56 = vector.broadcast %broadcast_in_dim3A_55 : i32 to vector<16xi32>
      %gt3A_57 = arith.cmpf ogt, %get3A_54, %select_n3A_48 : vector<16xf32>
      %gt3A_58 = arith.cmpf ogt, %get3A_54, %select_n3A_45 : vector<16xf32>
      %select_n3A_59 = arith.select %gt3A_58, %get3A_54, %select_n3A_45 : vector<16xi1>, vector<16xf32>
      %select_n3A_60 = arith.select %gt3A_57, %select_n3A_48, %select_n3A_59 : vector<16xi1>, vector<16xf32>
      %select_n3A_61 = arith.select %gt3A_58, %broadcast_in_dim3A_56, %select_n3A_47 : vector<16xi1>, vector<16xi32>
      %select_n3A_62 = arith.select %gt3A_57, %select_n3A_49, %select_n3A_61 : vector<16xi1>, vector<16xi32>
      %select_n3A_63 = arith.select %gt3A_57, %get3A_54, %select_n3A_48 : vector<16xi1>, vector<16xf32>
      %select_n3A_64 = arith.select %gt3A_57, %broadcast_in_dim3A_56, %select_n3A_49 : vector<16xi1>, vector<16xi32>
      %get3A_65 = arith.constant 4 : i32
      %get3A_66 = arith.index_cast %get3A_65 : i32 to index
      %get3A_67 = arith.constant 0 : index
      %get3A_68 = tpu.vector_load %arg5[%get3A_66, %get3A_67] {strides = array<i32>} : memref<8x16xf32, #tpu.memory_space<vmem>>, vector<1x16xf32>,
      %get3A_69 = vector.shape_cast %get3A_68 : vector<1x16xf32> to vector<16xf32>
      %broadcast_in_dim3A_70 = arith.constant 4 : i32
      %broadcast_in_dim3A_71 = vector.broadcast %broadcast_in_dim3A_70 : i32 to vector<16xi32>
      %gt3A_72 = arith.cmpf ogt, %get3A_69, %select_n3A_63 : vector<16xf32>
      %gt3A_73 = arith.cmpf ogt, %get3A_69, %select_n3A_60 : vector<16xf32>
      %select_n3A_74 = arith.select %gt3A_73, %get3A_69, %select_n3A_60 : vector<16xi1>, vector<16xf32>
      %select_n3A_75 = arith.select %gt3A_72, %select_n3A_63, %select_n3A_74 : vector<16xi1>, vector<16xf32>
      %select_n3A_76 = arith.select %gt3A_73, %broadcast_in_dim3A_71, %select_n3A_62 : vector<16xi1>, vector<16xi32>
      %select_n3A_77 = arith.select %gt3A_72, %select_n3A_64, %select_n3A_76 : vector<16xi1>, vector<16xi32>
      %select_n3A_78 = arith.select %gt3A_72, %get3A_69, %select_n3A_63 : vector<16xi1>, vector<16xf32>
      %select_n3A_79 = arith.select %gt3A_72, %broadcast_in_dim3A_71, %select_n3A_64 : vector<16xi1>, vector<16xi32>
      %get3A_80 = arith.constant 5 : i32
      %get3A_81 = arith.index_cast %get3A_80 : i32 to index
      %get3A_82 = arith.constant 0 : index
      %get3A_83 = tpu.vector_load %arg5[%get3A_81, %get3A_82] {strides = array<i32>} : memref<8x16xf32, #tpu.memory_space<vmem>>, vector<1x16xf32>,
      %get3A_84 = vector.shape_cast %get3A_83 : vector<1x16xf32> to vector<16xf32>
      %broadcast_in_dim3A_85 = arith.constant 5 : i32
      %broadcast_in_dim3A_86 = vector.broadcast %broadcast_in_dim3A_85 : i32 to vector<16xi32>
      %gt3A_87 = arith.cmpf ogt, %get3A_84, %select_n3A_78 : vector<16xf32>
      %gt3A_88 = arith.cmpf ogt, %get3A_84, %select_n3A_75 : vector<16xf32>
      %select_n3A_89 = arith.select %gt3A_88, %get3A_84, %select_n3A_75 : vector<16xi1>, vector<16xf32>
      %select_n3A_90 = arith.select %gt3A_87, %select_n3A_78, %select_n3A_89 : vector<16xi1>, vector<16xf32>
      %select_n3A_91 = arith.select %gt3A_88, %broadcast_in_dim3A_86, %select_n3A_77 : vector<16xi1>, vector<16xi32>
      %select_n3A_92 = arith.select %gt3A_87, %select_n3A_79, %select_n3A_91 : vector<16xi1>, vector<16xi32>
      %select_n3A_93 = arith.select %gt3A_87, %get3A_84, %select_n3A_78 : vector<16xi1>, vector<16xf32>
      %select_n3A_94 = arith.select %gt3A_87, %broadcast_in_dim3A_86, %select_n3A_79 : vector<16xi1>, vector<16xi32>
      %get3A_95 = arith.constant 6 : i32
      %get3A_96 = arith.index_cast %get3A_95 : i32 to index
      %get3A_97 = arith.constant 0 : index
      %get3A_98 = tpu.vector_load %arg5[%get3A_96, %get3A_97] {strides = array<i32>} : memref<8x16xf32, #tpu.memory_space<vmem>>, vector<1x16xf32>,
      %get3A_99 = vector.shape_cast %get3A_98 : vector<1x16xf32> to vector<16xf32>
      %broadcast_in_dim3A_100 = arith.constant 6 : i32
      %broadcast_in_dim3A_101 = vector.broadcast %broadcast_in_dim3A_100 : i32 to vector<16xi32>
      %gt3A_102 = arith.cmpf ogt, %get3A_99, %select_n3A_93 : vector<16xf32>
      %gt3A_103 = arith.cmpf ogt, %get3A_99, %select_n3A_90 : vector<16xf32>
      %select_n3A_104 = arith.select %gt3A_103, %get3A_99, %select_n3A_90 : vector<16xi1>, vector<16xf32>
      %select_n3A_105 = arith.select %gt3A_102, %select_n3A_93, %select_n3A_104 : vector<16xi1>, vector<16xf32>
      %select_n3A_106 = arith.select %gt3A_103, %broadcast_in_dim3A_101, %select_n3A_92 : vector<16xi1>, vector<16xi32>
      %select_n3A_107 = arith.select %gt3A_102, %select_n3A_94, %select_n3A_106 : vector<16xi1>, vector<16xi32>
      %select_n3A_108 = arith.select %gt3A_102, %get3A_99, %select_n3A_93 : vector<16xi1>, vector<16xf32>
      %select_n3A_109 = arith.select %gt3A_102, %broadcast_in_dim3A_101, %select_n3A_94 : vector<16xi1>, vector<16xi32>
      %get3A_110 = arith.constant 7 : i32
      %get3A_111 = arith.index_cast %get3A_110 : i32 to index
      %get3A_112 = arith.constant 0 : index
      %get3A_113 = tpu.vector_load %arg5[%get3A_111, %get3A_112] {strides = array<i32>} : memref<8x16xf32, #tpu.memory_space<vmem>>, vector<1x16xf32>,
      %get3A_114 = vector.shape_cast %get3A_113 : vector<1x16xf32> to vector<16xf32>
      %broadcast_in_dim3A_115 = arith.constant 7 : i32
      %broadcast_in_dim3A_116 = vector.broadcast %broadcast_in_dim3A_115 : i32 to vector<16xi32>
      %gt3A_117 = arith.cmpf ogt, %get3A_114, %select_n3A_108 : vector<16xf32>
      %gt3A_118 = arith.cmpf ogt, %get3A_114, %select_n3A_105 : vector<16xf32>
      %select_n3A_119 = arith.select %gt3A_118, %get3A_114, %select_n3A_105 : vector<16xi1>, vector<16xf32>
      %select_n3A_120 = arith.select %gt3A_117, %select_n3A_108, %select_n3A_119 : vector<16xi1>, vector<16xf32>
      %select_n3A_121 = arith.select %gt3A_118, %broadcast_in_dim3A_116, %select_n3A_107 : vector<16xi1>, vector<16xi32>
      %select_n3A_122 = arith.select %gt3A_117, %select_n3A_109, %select_n3A_121 : vector<16xi1>, vector<16xi32>
      %select_n3A_123 = arith.select %gt3A_117, %get3A_114, %select_n3A_108 : vector<16xi1>, vector<16xf32>
      %select_n3A_124 = arith.select %gt3A_117, %broadcast_in_dim3A_116, %select_n3A_109 : vector<16xi1>, vector<16xi32>
      %sub3A = arith.subf %select_n3A_120, %select_n3A_123 : vector<16xf32>
      %exp3A = math.exp %sub3A : vector<16xf32>
      %add3A_125 = arith.constant 1.000000e+00 : f32
      %add3A_126 = vector.broadcast %add3A_125 : f32 to vector<16xf32>
      %add3A_127 = arith.addf %add3A_126, %exp3A : vector<16xf32>
      %div3A = arith.constant 1.000000e+00 : f32
      %div3A_128 = vector.broadcast %div3A : f32 to vector<16xf32>
      %div3A_129 = arith.divf %div3A_128, %add3A_127 : vector<16xf32>
      %div3A_130 = arith.divf %exp3A, %add3A_127 : vector<16xf32>
      %swap3A = arith.constant 0 : index
      %swap3A_131 = tpu.vector_load %arg6[%swap3A] {strides = array<i32>} : memref<32xi32, #tpu.memory_space<vmem>>, vector<16xi32>,
      %swap3A_132 = vector.shape_cast %swap3A_131 : vector<16xi32> to vector<16xi32>
      %swap3A_133 = vector.shape_cast %select_n3A_124 : vector<16xi32> to vector<16xi32>
      tpu.vector_store %arg6[%swap3A], %swap3A_133 {strides = array<i32>} : memref<32xi32, #tpu.memory_space<vmem>>, vector<16xi32>,
      %swap3A_134 = arith.constant 16 : index
      %swap3A_135 = tpu.vector_load %arg6[%swap3A_134] {strides = array<i32>} : memref<32xi32, #tpu.memory_space<vmem>>, vector<16xi32>,
      %swap3A_136 = vector.shape_cast %swap3A_135 : vector<16xi32> to vector<16xi32>
      %swap3A_137 = vector.shape_cast %select_n3A_122 : vector<16xi32> to vector<16xi32>
      tpu.vector_store %arg6[%swap3A_134], %swap3A_137 {strides = array<i32>} : memref<32xi32, #tpu.memory_space<vmem>>, vector<16xi32>,
      %swap3A_138 = arith.constant 0 : index
      %swap3A_139 = tpu.vector_load %arg7[%swap3A_138] {strides = array<i32>} : memref<32xf32, #tpu.memory_space<vmem>>, vector<16xf32>,
      %swap3A_140 = vector.shape_cast %swap3A_139 : vector<16xf32> to vector<16xf32>
      %swap3A_141 = vector.shape_cast %div3A_129 : vector<16xf32> to vector<16xf32>
      tpu.vector_store %arg7[%swap3A_138], %swap3A_141 {strides = array<i32>} : memref<32xf32, #tpu.memory_space<vmem>>, vector<16xf32>,
      %swap3A_142 = arith.constant 16 : index
      %swap3A_143 = tpu.vector_load %arg7[%swap3A_142] {strides = array<i32>} : memref<32xf32, #tpu.memory_space<vmem>>, vector<16xf32>,
      %swap3A_144 = vector.shape_cast %swap3A_143 : vector<16xf32> to vector<16xf32>
      %swap3A_145 = vector.shape_cast %div3A_130 : vector<16xf32> to vector<16xf32>
      tpu.vector_store %arg7[%swap3A_142], %swap3A_145 {strides = array<i32>} : memref<32xf32, #tpu.memory_space<vmem>>, vector<16xf32>,
      "tpu.region"() ({
        %run_scoped3A = tpu.sem_alloc : memref<!tpu.dma_semaphore, #tpu.memory_space<semaphore_mem>>
        tpu.enqueue_dma source(%arg6 : memref<32xi32, #tpu.memory_space<vmem>>) target(%arg3 : memref<32xi32, #tpu.memory_space<hbm>>) target_semaphore(%run_scoped3A : memref<!tpu.dma_semaphore, #tpu.memory_space<semaphore_mem>>)
        tpu.wait_dma2 semaphore(%run_scoped3A : memref<!tpu.dma_semaphore, #tpu.memory_space<semaphore_mem>>) src(%arg6 : memref<32xi32, #tpu.memory_space<vmem>>) dst(%arg3 : memref<32xi32, #tpu.memory_space<hbm>>)
        tpu.yield
      }) : () -> ()
      "tpu.region"() ({
        %run_scoped3A = tpu.sem_alloc : memref<!tpu.dma_semaphore, #tpu.memory_space<semaphore_mem>>
        tpu.enqueue_dma source(%arg7 : memref<32xf32, #tpu.memory_space<vmem>>) target(%arg4 : memref<32xf32, #tpu.memory_space<hbm>>) target_semaphore(%run_scoped3A : memref<!tpu.dma_semaphore, #tpu.memory_space<semaphore_mem>>)
        tpu.wait_dma2 semaphore(%run_scoped3A : memref<!tpu.dma_semaphore, #tpu.memory_space<semaphore_mem>>) src(%arg7 : memref<32xf32, #tpu.memory_space<vmem>>) dst(%arg4 : memref<32xf32, #tpu.memory_space<hbm>>)
        tpu.yield
      }) : () -> ()
    } else {
    }
    return
  }
}

module attributes {stable_mosaic.version = 14 : i64} {
  func.func @_moe_body(%arg0: i32, %arg1: memref<32xi32, #tpu.memory_space<smem>>, %arg2: memref<32xf32, #tpu.memory_space<smem>>, %arg3: memref<1x48x3136xf32, #tpu.memory_space<vmem>>, %arg4: memref<1x96x192xf32, #tpu.memory_space<vmem>>, %arg5: memref<1x96x192xf32, #tpu.memory_space<vmem>>, %arg6: memref<1x96x3xf32, #tpu.memory_space<vmem>>, %arg7: memref<1x96x3xf32, #tpu.memory_space<vmem>>, %arg8: memref<1x96x3080xf32, #tpu.memory_space<vmem>>, %arg9: memref<192x896xf32, #tpu.memory_space<vmem>>) attributes {dimension_semantics = [#tpu.dimension_semantics<arbitrary>], iteration_bounds = array<i64: 16>, scalar_prefetch = 2 : i64, scratch_operands = 1 : i64, tpu.core_type = #tpu.core_type<tc>, window_params = [{transform_indices = @transform_0, window_bounds = array<i64: 1, 48, 3136>}, {transform_indices = @transform_1, window_bounds = array<i64: 1, 96, 192>}, {transform_indices = @transform_2, window_bounds = array<i64: 1, 96, 192>}, {transform_indices = @transform_3, window_bounds = array<i64: 1, 96, 3>}, {transform_indices = @transform_4, window_bounds = array<i64: 1, 96, 3>}, {transform_indices = @transform_5, window_bounds = array<i64: 1, 96, 3080>}]} {
    %get3A = arith.constant 0 : index
    %get3A_0 = arith.constant 0 : index
    %get3A_1 = arith.constant 0 : index
    %get3A_2 = vector.load %arg4[%get3A, %get3A_0, %get3A_1] : memref<1x96x192xf32, #tpu.memory_space<vmem>>, vector<1x96x192xf32>
    %get3A_3 = vector.shape_cast %get3A_2 : vector<1x96x192xf32> to vector<96x192xf32>
    %get3A_4 = arith.constant 0 : index
    %get3A_5 = arith.constant 0 : index
    %get3A_6 = arith.constant 0 : index
    %get3A_7 = vector.load %arg5[%get3A_4, %get3A_5, %get3A_6] : memref<1x96x192xf32, #tpu.memory_space<vmem>>, vector<1x96x192xf32>
    %get3A_8 = vector.shape_cast %get3A_7 : vector<1x96x192xf32> to vector<96x192xf32>
    %concatenate3A = tpu.concatenate %get3A_3, %get3A_8 in 0 : vector<96x192xf32>, vector<96x192xf32> -> vector<192x192xf32>
    %get3A_9 = arith.constant 0 : index
    %get3A_10 = arith.constant 0 : index
    %get3A_11 = arith.constant 0 : index
    %get3A_12 = vector.load %arg3[%get3A_9, %get3A_10, %get3A_11] : memref<1x48x3136xf32, #tpu.memory_space<vmem>>, vector<1x48x896xf32>
    %get3A_13 = vector.shape_cast %get3A_12 : vector<1x48x896xf32> to vector<48x896xf32>
    %swap3A = arith.constant 0 : index
    %swap3A_14 = arith.constant 0 : index
    %swap3A_15 = vector.load %arg9[%swap3A, %swap3A_14] : memref<192x896xf32, #tpu.memory_space<vmem>>, vector<48x896xf32>
    tpu.vector_store %arg9[%swap3A, %swap3A_14], %get3A_13 {strides = array<i32>} : memref<192x896xf32, #tpu.memory_space<vmem>>, vector<48x896xf32>,
    %get3A_16 = arith.constant 0 : index
    %get3A_17 = arith.constant 0 : index
    %get3A_18 = arith.constant 1 : index
    %get3A_19 = vector.load %arg3[%get3A_16, %get3A_17, %get3A_18] : memref<1x48x3136xf32, #tpu.memory_space<vmem>>, vector<1x48x896xf32>
    %get3A_20 = vector.shape_cast %get3A_19 : vector<1x48x896xf32> to vector<48x896xf32>
    %swap3A_21 = arith.constant 48 : index
    %swap3A_22 = arith.constant 0 : index
    %swap3A_23 = vector.load %arg9[%swap3A_21, %swap3A_22] : memref<192x896xf32, #tpu.memory_space<vmem>>, vector<48x896xf32>
    tpu.vector_store %arg9[%swap3A_21, %swap3A_22], %get3A_20 {strides = array<i32>} : memref<192x896xf32, #tpu.memory_space<vmem>>, vector<48x896xf32>,
    %get3A_24 = arith.constant 0 : index
    %get3A_25 = arith.constant 0 : index
    %get3A_26 = arith.constant 56 : index
    %get3A_27 = vector.load %arg3[%get3A_24, %get3A_25, %get3A_26] : memref<1x48x3136xf32, #tpu.memory_space<vmem>>, vector<1x48x896xf32>
    %get3A_28 = vector.shape_cast %get3A_27 : vector<1x48x896xf32> to vector<48x896xf32>
    %swap3A_29 = arith.constant 96 : index
    %swap3A_30 = arith.constant 0 : index
    %swap3A_31 = vector.load %arg9[%swap3A_29, %swap3A_30] : memref<192x896xf32, #tpu.memory_space<vmem>>, vector<48x896xf32>
    tpu.vector_store %arg9[%swap3A_29, %swap3A_30], %get3A_28 {strides = array<i32>} : memref<192x896xf32, #tpu.memory_space<vmem>>, vector<48x896xf32>,
    %get3A_32 = arith.constant 0 : index
    %get3A_33 = arith.constant 0 : index
    %get3A_34 = arith.constant 57 : index
    %get3A_35 = vector.load %arg3[%get3A_32, %get3A_33, %get3A_34] : memref<1x48x3136xf32, #tpu.memory_space<vmem>>, vector<1x48x896xf32>
    %get3A_36 = vector.shape_cast %get3A_35 : vector<1x48x896xf32> to vector<48x896xf32>
    %swap3A_37 = arith.constant 144 : index
    %swap3A_38 = arith.constant 0 : index
    %swap3A_39 = vector.load %arg9[%swap3A_37, %swap3A_38] : memref<192x896xf32, #tpu.memory_space<vmem>>, vector<48x896xf32>
    tpu.vector_store %arg9[%swap3A_37, %swap3A_38], %get3A_36 {strides = array<i32>} : memref<192x896xf32, #tpu.memory_space<vmem>>, vector<48x896xf32>,
    %get3A_40 = arith.constant 0 : index
    %get3A_41 = arith.constant 0 : index
    %get3A_42 = vector.load %arg9[%get3A_40, %get3A_41] : memref<192x896xf32, #tpu.memory_space<vmem>>, vector<192x896xf32>
    %dot_general3A = arith.constant dense<0.000000e+00> : vector<192x896xf32>
    %dot_general3A_43 = tpu.matmul %concatenate3A, %get3A_42, %dot_general3A {dimension_numbers = #tpu.dot_dimension_numbers<[1], [0], [0], [1], [0, 0, 1, 1], [], []>, transpose_lhs_hint = false} : vector<192x192xf32>, vector<192x896xf32>, vector<192x896xf32> -> vector<192x896xf32>
    %slice3A = vector.extract_strided_slice %dot_general3A_43 {offsets = [0, 0], sizes = [96, 896], strides = [1, 1]} : vector<192x896xf32> to vector<96x896xf32>
    %get3A_44 = arith.constant 0 : index
    %get3A_45 = arith.constant 0 : index
    %get3A_46 = arith.constant 0 : index
    %get3A_47 = vector.load %arg6[%get3A_44, %get3A_45, %get3A_46] : memref<1x96x3xf32, #tpu.memory_space<vmem>>, vector<1x96x1xf32>
    %get3A_48 = vector.shape_cast %get3A_47 : vector<1x96x1xf32> to vector<96x1xf32>
    %add3A = vector.broadcast %get3A_48 : vector<96x1xf32> to vector<96x896xf32>
    %add3A_49 = arith.addf %slice3A, %add3A : vector<96x896xf32>
    %reduce_sum3A = arith.constant dense<0.000000e+00> : vector<896xf32>
    %reduce_sum3A_50 = vector.multi_reduction <add>, %add3A_49, %reduce_sum3A [0] : vector<96x896xf32> to vector<896xf32>
    %broadcast_in_dim3A = vector.shape_cast %reduce_sum3A_50 : vector<896xf32> to vector<1x896xf32>
    %div3A = arith.constant 9.600000e+01 : f32
    %div3A_51 = vector.broadcast %div3A : f32 to vector<1x896xf32>
    %div3A_52 = arith.divf %broadcast_in_dim3A, %div3A_51 : vector<1x896xf32>
    %sub3A = vector.broadcast %div3A_52 : vector<1x896xf32> to vector<96x896xf32>
    %sub3A_53 = arith.subf %add3A_49, %sub3A : vector<96x896xf32>
    %mul3A = arith.mulf %sub3A_53, %sub3A_53 : vector<96x896xf32>
    %reduce_sum3A_54 = arith.constant dense<0.000000e+00> : vector<896xf32>
    %reduce_sum3A_55 = vector.multi_reduction <add>, %mul3A, %reduce_sum3A_54 [0] : vector<96x896xf32> to vector<896xf32>
    %broadcast_in_dim3A_56 = vector.shape_cast %reduce_sum3A_55 : vector<896xf32> to vector<1x896xf32>
    %div3A_57 = arith.constant 9.600000e+01 : f32
    %div3A_58 = vector.broadcast %div3A_57 : f32 to vector<1x896xf32>
    %div3A_59 = arith.divf %broadcast_in_dim3A_56, %div3A_58 : vector<1x896xf32>
    %add3A_60 = arith.constant 9.99999997E-7 : f32
    %add3A_61 = vector.broadcast %add3A_60 : f32 to vector<1x896xf32>
    %add3A_62 = arith.addf %div3A_59, %add3A_61 : vector<1x896xf32>
    %rsqrt3A = math.rsqrt %add3A_62 : vector<1x896xf32>
    %mul3A_63 = vector.broadcast %rsqrt3A : vector<1x896xf32> to vector<96x896xf32>
    %mul3A_64 = arith.mulf %sub3A_53, %mul3A_63 : vector<96x896xf32>
    %get3A_65 = arith.constant 0 : index
    %get3A_66 = arith.constant 0 : index
    %get3A_67 = arith.constant 1 : index
    %get3A_68 = vector.load %arg6[%get3A_65, %get3A_66, %get3A_67] : memref<1x96x3xf32, #tpu.memory_space<vmem>>, vector<1x96x1xf32>
    %get3A_69 = vector.shape_cast %get3A_68 : vector<1x96x1xf32> to vector<96x1xf32>
    %mul3A_70 = vector.broadcast %get3A_69 : vector<96x1xf32> to vector<96x896xf32>
    %mul3A_71 = arith.mulf %mul3A_64, %mul3A_70 : vector<96x896xf32>
    %get3A_72 = arith.constant 0 : index
    %get3A_73 = arith.constant 0 : index
    %get3A_74 = arith.constant 2 : index
    %get3A_75 = vector.load %arg6[%get3A_72, %get3A_73, %get3A_74] : memref<1x96x3xf32, #tpu.memory_space<vmem>>, vector<1x96x1xf32>
    %get3A_76 = vector.shape_cast %get3A_75 : vector<1x96x1xf32> to vector<96x1xf32>
    %add3A_77 = vector.broadcast %get3A_76 : vector<96x1xf32> to vector<96x896xf32>
    %add3A_78 = arith.addf %mul3A_71, %add3A_77 : vector<96x896xf32>
    %add3A_79 = arith.constant 0 : i32
    %add3A_80 = arith.addi %add3A_79, %arg0 : i32
    %get3A_81 = arith.index_cast %add3A_80 : i32 to index
    %get3A_82 = memref.load %arg2[%get3A_81] : memref<32xf32, #tpu.memory_space<smem>>
    %mul3A_83 = vector.broadcast %get3A_82 : f32 to vector<96x896xf32>
    %mul3A_84 = arith.mulf %add3A_78, %mul3A_83 : vector<96x896xf32>
    %slice3A_85 = vector.extract_strided_slice %dot_general3A_43 {offsets = [96, 0], sizes = [96, 896], strides = [1, 1]} : vector<192x896xf32> to vector<96x896xf32>
    %get3A_86 = arith.constant 0 : index
    %get3A_87 = arith.constant 0 : index
    %get3A_88 = arith.constant 0 : index
    %get3A_89 = vector.load %arg7[%get3A_86, %get3A_87, %get3A_88] : memref<1x96x3xf32, #tpu.memory_space<vmem>>, vector<1x96x1xf32>
    %get3A_90 = vector.shape_cast %get3A_89 : vector<1x96x1xf32> to vector<96x1xf32>
    %add3A_91 = vector.broadcast %get3A_90 : vector<96x1xf32> to vector<96x896xf32>
    %add3A_92 = arith.addf %slice3A_85, %add3A_91 : vector<96x896xf32>
    %reduce_sum3A_93 = arith.constant dense<0.000000e+00> : vector<896xf32>
    %reduce_sum3A_94 = vector.multi_reduction <add>, %add3A_92, %reduce_sum3A_93 [0] : vector<96x896xf32> to vector<896xf32>
    %broadcast_in_dim3A_95 = vector.shape_cast %reduce_sum3A_94 : vector<896xf32> to vector<1x896xf32>
    %div3A_96 = arith.constant 9.600000e+01 : f32
    %div3A_97 = vector.broadcast %div3A_96 : f32 to vector<1x896xf32>
    %div3A_98 = arith.divf %broadcast_in_dim3A_95, %div3A_97 : vector<1x896xf32>
    %sub3A_99 = vector.broadcast %div3A_98 : vector<1x896xf32> to vector<96x896xf32>
    %sub3A_100 = arith.subf %add3A_92, %sub3A_99 : vector<96x896xf32>
    %mul3A_101 = arith.mulf %sub3A_100, %sub3A_100 : vector<96x896xf32>
    %reduce_sum3A_102 = arith.constant dense<0.000000e+00> : vector<896xf32>
    %reduce_sum3A_103 = vector.multi_reduction <add>, %mul3A_101, %reduce_sum3A_102 [0] : vector<96x896xf32> to vector<896xf32>
    %broadcast_in_dim3A_104 = vector.shape_cast %reduce_sum3A_103 : vector<896xf32> to vector<1x896xf32>
    %div3A_105 = arith.constant 9.600000e+01 : f32
    %div3A_106 = vector.broadcast %div3A_105 : f32 to vector<1x896xf32>
    %div3A_107 = arith.divf %broadcast_in_dim3A_104, %div3A_106 : vector<1x896xf32>
    %add3A_108 = arith.constant 9.99999997E-7 : f32
    %add3A_109 = vector.broadcast %add3A_108 : f32 to vector<1x896xf32>
    %add3A_110 = arith.addf %div3A_107, %add3A_109 : vector<1x896xf32>
    %rsqrt3A_111 = math.rsqrt %add3A_110 : vector<1x896xf32>
    %mul3A_112 = vector.broadcast %rsqrt3A_111 : vector<1x896xf32> to vector<96x896xf32>
    %mul3A_113 = arith.mulf %sub3A_100, %mul3A_112 : vector<96x896xf32>
    %get3A_114 = arith.constant 0 : index
    %get3A_115 = arith.constant 0 : index
    %get3A_116 = arith.constant 1 : index
    %get3A_117 = vector.load %arg7[%get3A_114, %get3A_115, %get3A_116] : memref<1x96x3xf32, #tpu.memory_space<vmem>>, vector<1x96x1xf32>
    %get3A_118 = vector.shape_cast %get3A_117 : vector<1x96x1xf32> to vector<96x1xf32>
    %mul3A_119 = vector.broadcast %get3A_118 : vector<96x1xf32> to vector<96x896xf32>
    %mul3A_120 = arith.mulf %mul3A_113, %mul3A_119 : vector<96x896xf32>
    %get3A_121 = arith.constant 0 : index
    %get3A_122 = arith.constant 0 : index
    %get3A_123 = arith.constant 2 : index
    %get3A_124 = vector.load %arg7[%get3A_121, %get3A_122, %get3A_123] : memref<1x96x3xf32, #tpu.memory_space<vmem>>, vector<1x96x1xf32>
    %get3A_125 = vector.shape_cast %get3A_124 : vector<1x96x1xf32> to vector<96x1xf32>
    %add3A_126 = vector.broadcast %get3A_125 : vector<96x1xf32> to vector<96x896xf32>
    %add3A_127 = arith.addf %mul3A_120, %add3A_126 : vector<96x896xf32>
    %add3A_128 = arith.constant 16 : i32
    %add3A_129 = arith.addi %add3A_128, %arg0 : i32
    %get3A_130 = arith.index_cast %add3A_129 : i32 to index
    %get3A_131 = memref.load %arg2[%get3A_130] : memref<32xf32, #tpu.memory_space<smem>>
    %mul3A_132 = vector.broadcast %get3A_131 : f32 to vector<96x896xf32>
    %mul3A_133 = arith.mulf %add3A_127, %mul3A_132 : vector<96x896xf32>
    %add3A_134 = arith.addf %mul3A_84, %mul3A_133 : vector<96x896xf32>
    %swap3A_135 = arith.constant 0 : index
    %swap3A_136 = arith.constant 0 : index
    %swap3A_137 = arith.constant 0 : index
    %swap3A_138 = vector.load %arg8[%swap3A_135, %swap3A_136, %swap3A_137] : memref<1x96x3080xf32, #tpu.memory_space<vmem>>, vector<1x96x896xf32>
    %swap3A_139 = vector.shape_cast %swap3A_138 : vector<1x96x896xf32> to vector<96x896xf32>
    %swap3A_140 = vector.shape_cast %add3A_134 : vector<96x896xf32> to vector<1x96x896xf32>
    tpu.vector_store %arg8[%swap3A_135, %swap3A_136, %swap3A_137], %swap3A_140 {strides = array<i32>} : memref<1x96x3080xf32, #tpu.memory_space<vmem>>, vector<1x96x896xf32>,
    %get3A_141 = arith.constant 0 : index
    %get3A_142 = arith.constant 0 : index
    %get3A_143 = arith.constant 896 : index
    %get3A_144 = vector.load %arg3[%get3A_141, %get3A_142, %get3A_143] : memref<1x48x3136xf32, #tpu.memory_space<vmem>>, vector<1x48x896xf32>
    %get3A_145 = vector.shape_cast %get3A_144 : vector<1x48x896xf32> to vector<48x896xf32>
    %swap3A_146 = arith.constant 0 : index
    %swap3A_147 = arith.constant 0 : index
    %swap3A_148 = vector.load %arg9[%swap3A_146, %swap3A_147] : memref<192x896xf32, #tpu.memory_space<vmem>>, vector<48x896xf32>
    tpu.vector_store %arg9[%swap3A_146, %swap3A_147], %get3A_145 {strides = array<i32>} : memref<192x896xf32, #tpu.memory_space<vmem>>, vector<48x896xf32>,
    %get3A_149 = arith.constant 0 : index
    %get3A_150 = arith.constant 0 : index
    %get3A_151 = arith.constant 897 : index
    %get3A_152 = vector.load %arg3[%get3A_149, %get3A_150, %get3A_151] : memref<1x48x3136xf32, #tpu.memory_space<vmem>>, vector<1x48x896xf32>
    %get3A_153 = vector.shape_cast %get3A_152 : vector<1x48x896xf32> to vector<48x896xf32>
    %swap3A_154 = arith.constant 48 : index
    %swap3A_155 = arith.constant 0 : index
    %swap3A_156 = vector.load %arg9[%swap3A_154, %swap3A_155] : memref<192x896xf32, #tpu.memory_space<vmem>>, vector<48x896xf32>
    tpu.vector_store %arg9[%swap3A_154, %swap3A_155], %get3A_153 {strides = array<i32>} : memref<192x896xf32, #tpu.memory_space<vmem>>, vector<48x896xf32>,
    %get3A_157 = arith.constant 0 : index
    %get3A_158 = arith.constant 0 : index
    %get3A_159 = arith.constant 952 : index
    %get3A_160 = vector.load %arg3[%get3A_157, %get3A_158, %get3A_159] : memref<1x48x3136xf32, #tpu.memory_space<vmem>>, vector<1x48x896xf32>
    %get3A_161 = vector.shape_cast %get3A_160 : vector<1x48x896xf32> to vector<48x896xf32>
    %swap3A_162 = arith.constant 96 : index
    %swap3A_163 = arith.constant 0 : index
    %swap3A_164 = vector.load %arg9[%swap3A_162, %swap3A_163] : memref<192x896xf32, #tpu.memory_space<vmem>>, vector<48x896xf32>
    tpu.vector_store %arg9[%swap3A_162, %swap3A_163], %get3A_161 {strides = array<i32>} : memref<192x896xf32, #tpu.memory_space<vmem>>, vector<48x896xf32>,
    %get3A_165 = arith.constant 0 : index
    %get3A_166 = arith.constant 0 : index
    %get3A_167 = arith.constant 953 : index
    %get3A_168 = vector.load %arg3[%get3A_165, %get3A_166, %get3A_167] : memref<1x48x3136xf32, #tpu.memory_space<vmem>>, vector<1x48x896xf32>
    %get3A_169 = vector.shape_cast %get3A_168 : vector<1x48x896xf32> to vector<48x896xf32>
    %swap3A_170 = arith.constant 144 : index
    %swap3A_171 = arith.constant 0 : index
    %swap3A_172 = vector.load %arg9[%swap3A_170, %swap3A_171] : memref<192x896xf32, #tpu.memory_space<vmem>>, vector<48x896xf32>
    tpu.vector_store %arg9[%swap3A_170, %swap3A_171], %get3A_169 {strides = array<i32>} : memref<192x896xf32, #tpu.memory_space<vmem>>, vector<48x896xf32>,
    %get3A_173 = arith.constant 0 : index
    %get3A_174 = arith.constant 0 : index
    %get3A_175 = vector.load %arg9[%get3A_173, %get3A_174] : memref<192x896xf32, #tpu.memory_space<vmem>>, vector<192x896xf32>
    %dot_general3A_176 = arith.constant dense<0.000000e+00> : vector<192x896xf32>
    %dot_general3A_177 = tpu.matmul %concatenate3A, %get3A_175, %dot_general3A_176 {dimension_numbers = #tpu.dot_dimension_numbers<[1], [0], [0], [1], [0, 0, 1, 1], [], []>, transpose_lhs_hint = false} : vector<192x192xf32>, vector<192x896xf32>, vector<192x896xf32> -> vector<192x896xf32>
    %slice3A_178 = vector.extract_strided_slice %dot_general3A_177 {offsets = [0, 0], sizes = [96, 896], strides = [1, 1]} : vector<192x896xf32> to vector<96x896xf32>
    %get3A_179 = arith.constant 0 : index
    %get3A_180 = arith.constant 0 : index
    %get3A_181 = arith.constant 0 : index
    %get3A_182 = vector.load %arg6[%get3A_179, %get3A_180, %get3A_181] : memref<1x96x3xf32, #tpu.memory_space<vmem>>, vector<1x96x1xf32>
    %get3A_183 = vector.shape_cast %get3A_182 : vector<1x96x1xf32> to vector<96x1xf32>
    %add3A_184 = vector.broadcast %get3A_183 : vector<96x1xf32> to vector<96x896xf32>
    %add3A_185 = arith.addf %slice3A_178, %add3A_184 : vector<96x896xf32>
    %reduce_sum3A_186 = arith.constant dense<0.000000e+00> : vector<896xf32>
    %reduce_sum3A_187 = vector.multi_reduction <add>, %add3A_185, %reduce_sum3A_186 [0] : vector<96x896xf32> to vector<896xf32>
    %broadcast_in_dim3A_188 = vector.shape_cast %reduce_sum3A_187 : vector<896xf32> to vector<1x896xf32>
    %div3A_189 = arith.constant 9.600000e+01 : f32
    %div3A_190 = vector.broadcast %div3A_189 : f32 to vector<1x896xf32>
    %div3A_191 = arith.divf %broadcast_in_dim3A_188, %div3A_190 : vector<1x896xf32>
    %sub3A_192 = vector.broadcast %div3A_191 : vector<1x896xf32> to vector<96x896xf32>
    %sub3A_193 = arith.subf %add3A_185, %sub3A_192 : vector<96x896xf32>
    %mul3A_194 = arith.mulf %sub3A_193, %sub3A_193 : vector<96x896xf32>
    %reduce_sum3A_195 = arith.constant dense<0.000000e+00> : vector<896xf32>
    %reduce_sum3A_196 = vector.multi_reduction <add>, %mul3A_194, %reduce_sum3A_195 [0] : vector<96x896xf32> to vector<896xf32>
    %broadcast_in_dim3A_197 = vector.shape_cast %reduce_sum3A_196 : vector<896xf32> to vector<1x896xf32>
    %div3A_198 = arith.constant 9.600000e+01 : f32
    %div3A_199 = vector.broadcast %div3A_198 : f32 to vector<1x896xf32>
    %div3A_200 = arith.divf %broadcast_in_dim3A_197, %div3A_199 : vector<1x896xf32>
    %add3A_201 = arith.constant 9.99999997E-7 : f32
    %add3A_202 = vector.broadcast %add3A_201 : f32 to vector<1x896xf32>
    %add3A_203 = arith.addf %div3A_200, %add3A_202 : vector<1x896xf32>
    %rsqrt3A_204 = math.rsqrt %add3A_203 : vector<1x896xf32>
    %mul3A_205 = vector.broadcast %rsqrt3A_204 : vector<1x896xf32> to vector<96x896xf32>
    %mul3A_206 = arith.mulf %sub3A_193, %mul3A_205 : vector<96x896xf32>
    %get3A_207 = arith.constant 0 : index
    %get3A_208 = arith.constant 0 : index
    %get3A_209 = arith.constant 1 : index
    %get3A_210 = vector.load %arg6[%get3A_207, %get3A_208, %get3A_209] : memref<1x96x3xf32, #tpu.memory_space<vmem>>, vector<1x96x1xf32>
    %get3A_211 = vector.shape_cast %get3A_210 : vector<1x96x1xf32> to vector<96x1xf32>
    %mul3A_212 = vector.broadcast %get3A_211 : vector<96x1xf32> to vector<96x896xf32>
    %mul3A_213 = arith.mulf %mul3A_206, %mul3A_212 : vector<96x896xf32>
    %get3A_214 = arith.constant 0 : index
    %get3A_215 = arith.constant 0 : index
    %get3A_216 = arith.constant 2 : index
    %get3A_217 = vector.load %arg6[%get3A_214, %get3A_215, %get3A_216] : memref<1x96x3xf32, #tpu.memory_space<vmem>>, vector<1x96x1xf32>
    %get3A_218 = vector.shape_cast %get3A_217 : vector<1x96x1xf32> to vector<96x1xf32>
    %add3A_219 = vector.broadcast %get3A_218 : vector<96x1xf32> to vector<96x896xf32>
    %add3A_220 = arith.addf %mul3A_213, %add3A_219 : vector<96x896xf32>
    %add3A_221 = arith.constant 0 : i32
    %add3A_222 = arith.addi %add3A_221, %arg0 : i32
    %get3A_223 = arith.index_cast %add3A_222 : i32 to index
    %get3A_224 = memref.load %arg2[%get3A_223] : memref<32xf32, #tpu.memory_space<smem>>
    %mul3A_225 = vector.broadcast %get3A_224 : f32 to vector<96x896xf32>
    %mul3A_226 = arith.mulf %add3A_220, %mul3A_225 : vector<96x896xf32>
    %slice3A_227 = vector.extract_strided_slice %dot_general3A_177 {offsets = [96, 0], sizes = [96, 896], strides = [1, 1]} : vector<192x896xf32> to vector<96x896xf32>
    %get3A_228 = arith.constant 0 : index
    %get3A_229 = arith.constant 0 : index
    %get3A_230 = arith.constant 0 : index
    %get3A_231 = vector.load %arg7[%get3A_228, %get3A_229, %get3A_230] : memref<1x96x3xf32, #tpu.memory_space<vmem>>, vector<1x96x1xf32>
    %get3A_232 = vector.shape_cast %get3A_231 : vector<1x96x1xf32> to vector<96x1xf32>
    %add3A_233 = vector.broadcast %get3A_232 : vector<96x1xf32> to vector<96x896xf32>
    %add3A_234 = arith.addf %slice3A_227, %add3A_233 : vector<96x896xf32>
    %reduce_sum3A_235 = arith.constant dense<0.000000e+00> : vector<896xf32>
    %reduce_sum3A_236 = vector.multi_reduction <add>, %add3A_234, %reduce_sum3A_235 [0] : vector<96x896xf32> to vector<896xf32>
    %broadcast_in_dim3A_237 = vector.shape_cast %reduce_sum3A_236 : vector<896xf32> to vector<1x896xf32>
    %div3A_238 = arith.constant 9.600000e+01 : f32
    %div3A_239 = vector.broadcast %div3A_238 : f32 to vector<1x896xf32>
    %div3A_240 = arith.divf %broadcast_in_dim3A_237, %div3A_239 : vector<1x896xf32>
    %sub3A_241 = vector.broadcast %div3A_240 : vector<1x896xf32> to vector<96x896xf32>
    %sub3A_242 = arith.subf %add3A_234, %sub3A_241 : vector<96x896xf32>
    %mul3A_243 = arith.mulf %sub3A_242, %sub3A_242 : vector<96x896xf32>
    %reduce_sum3A_244 = arith.constant dense<0.000000e+00> : vector<896xf32>
    %reduce_sum3A_245 = vector.multi_reduction <add>, %mul3A_243, %reduce_sum3A_244 [0] : vector<96x896xf32> to vector<896xf32>
    %broadcast_in_dim3A_246 = vector.shape_cast %reduce_sum3A_245 : vector<896xf32> to vector<1x896xf32>
    %div3A_247 = arith.constant 9.600000e+01 : f32
    %div3A_248 = vector.broadcast %div3A_247 : f32 to vector<1x896xf32>
    %div3A_249 = arith.divf %broadcast_in_dim3A_246, %div3A_248 : vector<1x896xf32>
    %add3A_250 = arith.constant 9.99999997E-7 : f32
    %add3A_251 = vector.broadcast %add3A_250 : f32 to vector<1x896xf32>
    %add3A_252 = arith.addf %div3A_249, %add3A_251 : vector<1x896xf32>
    %rsqrt3A_253 = math.rsqrt %add3A_252 : vector<1x896xf32>
    %mul3A_254 = vector.broadcast %rsqrt3A_253 : vector<1x896xf32> to vector<96x896xf32>
    %mul3A_255 = arith.mulf %sub3A_242, %mul3A_254 : vector<96x896xf32>
    %get3A_256 = arith.constant 0 : index
    %get3A_257 = arith.constant 0 : index
    %get3A_258 = arith.constant 1 : index
    %get3A_259 = vector.load %arg7[%get3A_256, %get3A_257, %get3A_258] : memref<1x96x3xf32, #tpu.memory_space<vmem>>, vector<1x96x1xf32>
    %get3A_260 = vector.shape_cast %get3A_259 : vector<1x96x1xf32> to vector<96x1xf32>
    %mul3A_261 = vector.broadcast %get3A_260 : vector<96x1xf32> to vector<96x896xf32>
    %mul3A_262 = arith.mulf %mul3A_255, %mul3A_261 : vector<96x896xf32>
    %get3A_263 = arith.constant 0 : index
    %get3A_264 = arith.constant 0 : index
    %get3A_265 = arith.constant 2 : index
    %get3A_266 = vector.load %arg7[%get3A_263, %get3A_264, %get3A_265] : memref<1x96x3xf32, #tpu.memory_space<vmem>>, vector<1x96x1xf32>
    %get3A_267 = vector.shape_cast %get3A_266 : vector<1x96x1xf32> to vector<96x1xf32>
    %add3A_268 = vector.broadcast %get3A_267 : vector<96x1xf32> to vector<96x896xf32>
    %add3A_269 = arith.addf %mul3A_262, %add3A_268 : vector<96x896xf32>
    %add3A_270 = arith.constant 16 : i32
    %add3A_271 = arith.addi %add3A_270, %arg0 : i32
    %get3A_272 = arith.index_cast %add3A_271 : i32 to index
    %get3A_273 = memref.load %arg2[%get3A_272] : memref<32xf32, #tpu.memory_space<smem>>
    %mul3A_274 = vector.broadcast %get3A_273 : f32 to vector<96x896xf32>
    %mul3A_275 = arith.mulf %add3A_269, %mul3A_274 : vector<96x896xf32>
    %add3A_276 = arith.addf %mul3A_226, %mul3A_275 : vector<96x896xf32>
    %swap3A_277 = arith.constant 0 : index
    %swap3A_278 = arith.constant 0 : index
    %swap3A_279 = arith.constant 896 : index
    %swap3A_280 = vector.load %arg8[%swap3A_277, %swap3A_278, %swap3A_279] : memref<1x96x3080xf32, #tpu.memory_space<vmem>>, vector<1x96x896xf32>
    %swap3A_281 = vector.shape_cast %swap3A_280 : vector<1x96x896xf32> to vector<96x896xf32>
    %swap3A_282 = vector.shape_cast %add3A_276 : vector<96x896xf32> to vector<1x96x896xf32>
    tpu.vector_store %arg8[%swap3A_277, %swap3A_278, %swap3A_279], %swap3A_282 {strides = array<i32>} : memref<1x96x3080xf32, #tpu.memory_space<vmem>>, vector<1x96x896xf32>,
    %get3A_283 = arith.constant 0 : index
    %get3A_284 = arith.constant 0 : index
    %get3A_285 = arith.constant 1792 : index
    %get3A_286 = vector.load %arg3[%get3A_283, %get3A_284, %get3A_285] : memref<1x48x3136xf32, #tpu.memory_space<vmem>>, vector<1x48x896xf32>
    %get3A_287 = vector.shape_cast %get3A_286 : vector<1x48x896xf32> to vector<48x896xf32>
    %swap3A_288 = arith.constant 0 : index
    %swap3A_289 = arith.constant 0 : index
    %swap3A_290 = vector.load %arg9[%swap3A_288, %swap3A_289] : memref<192x896xf32, #tpu.memory_space<vmem>>, vector<48x896xf32>
    tpu.vector_store %arg9[%swap3A_288, %swap3A_289], %get3A_287 {strides = array<i32>} : memref<192x896xf32, #tpu.memory_space<vmem>>, vector<48x896xf32>,
    %get3A_291 = arith.constant 0 : index
    %get3A_292 = arith.constant 0 : index
    %get3A_293 = arith.constant 1793 : index
    %get3A_294 = vector.load %arg3[%get3A_291, %get3A_292, %get3A_293] : memref<1x48x3136xf32, #tpu.memory_space<vmem>>, vector<1x48x896xf32>
    %get3A_295 = vector.shape_cast %get3A_294 : vector<1x48x896xf32> to vector<48x896xf32>
    %swap3A_296 = arith.constant 48 : index
    %swap3A_297 = arith.constant 0 : index
    %swap3A_298 = vector.load %arg9[%swap3A_296, %swap3A_297] : memref<192x896xf32, #tpu.memory_space<vmem>>, vector<48x896xf32>
    tpu.vector_store %arg9[%swap3A_296, %swap3A_297], %get3A_295 {strides = array<i32>} : memref<192x896xf32, #tpu.memory_space<vmem>>, vector<48x896xf32>,
    %get3A_299 = arith.constant 0 : index
    %get3A_300 = arith.constant 0 : index
    %get3A_301 = arith.constant 1848 : index
    %get3A_302 = vector.load %arg3[%get3A_299, %get3A_300, %get3A_301] : memref<1x48x3136xf32, #tpu.memory_space<vmem>>, vector<1x48x896xf32>
    %get3A_303 = vector.shape_cast %get3A_302 : vector<1x48x896xf32> to vector<48x896xf32>
    %swap3A_304 = arith.constant 96 : index
    %swap3A_305 = arith.constant 0 : index
    %swap3A_306 = vector.load %arg9[%swap3A_304, %swap3A_305] : memref<192x896xf32, #tpu.memory_space<vmem>>, vector<48x896xf32>
    tpu.vector_store %arg9[%swap3A_304, %swap3A_305], %get3A_303 {strides = array<i32>} : memref<192x896xf32, #tpu.memory_space<vmem>>, vector<48x896xf32>,
    %get3A_307 = arith.constant 0 : index
    %get3A_308 = arith.constant 0 : index
    %get3A_309 = arith.constant 1849 : index
    %get3A_310 = vector.load %arg3[%get3A_307, %get3A_308, %get3A_309] : memref<1x48x3136xf32, #tpu.memory_space<vmem>>, vector<1x48x896xf32>
    %get3A_311 = vector.shape_cast %get3A_310 : vector<1x48x896xf32> to vector<48x896xf32>
    %swap3A_312 = arith.constant 144 : index
    %swap3A_313 = arith.constant 0 : index
    %swap3A_314 = vector.load %arg9[%swap3A_312, %swap3A_313] : memref<192x896xf32, #tpu.memory_space<vmem>>, vector<48x896xf32>
    tpu.vector_store %arg9[%swap3A_312, %swap3A_313], %get3A_311 {strides = array<i32>} : memref<192x896xf32, #tpu.memory_space<vmem>>, vector<48x896xf32>,
    %get3A_315 = arith.constant 0 : index
    %get3A_316 = arith.constant 0 : index
    %get3A_317 = vector.load %arg9[%get3A_315, %get3A_316] : memref<192x896xf32, #tpu.memory_space<vmem>>, vector<192x896xf32>
    %dot_general3A_318 = arith.constant dense<0.000000e+00> : vector<192x896xf32>
    %dot_general3A_319 = tpu.matmul %concatenate3A, %get3A_317, %dot_general3A_318 {dimension_numbers = #tpu.dot_dimension_numbers<[1], [0], [0], [1], [0, 0, 1, 1], [], []>, transpose_lhs_hint = false} : vector<192x192xf32>, vector<192x896xf32>, vector<192x896xf32> -> vector<192x896xf32>
    %slice3A_320 = vector.extract_strided_slice %dot_general3A_319 {offsets = [0, 0], sizes = [96, 896], strides = [1, 1]} : vector<192x896xf32> to vector<96x896xf32>
    %get3A_321 = arith.constant 0 : index
    %get3A_322 = arith.constant 0 : index
    %get3A_323 = arith.constant 0 : index
    %get3A_324 = vector.load %arg6[%get3A_321, %get3A_322, %get3A_323] : memref<1x96x3xf32, #tpu.memory_space<vmem>>, vector<1x96x1xf32>
    %get3A_325 = vector.shape_cast %get3A_324 : vector<1x96x1xf32> to vector<96x1xf32>
    %add3A_326 = vector.broadcast %get3A_325 : vector<96x1xf32> to vector<96x896xf32>
    %add3A_327 = arith.addf %slice3A_320, %add3A_326 : vector<96x896xf32>
    %reduce_sum3A_328 = arith.constant dense<0.000000e+00> : vector<896xf32>
    %reduce_sum3A_329 = vector.multi_reduction <add>, %add3A_327, %reduce_sum3A_328 [0] : vector<96x896xf32> to vector<896xf32>
    %broadcast_in_dim3A_330 = vector.shape_cast %reduce_sum3A_329 : vector<896xf32> to vector<1x896xf32>
    %div3A_331 = arith.constant 9.600000e+01 : f32
    %div3A_332 = vector.broadcast %div3A_331 : f32 to vector<1x896xf32>
    %div3A_333 = arith.divf %broadcast_in_dim3A_330, %div3A_332 : vector<1x896xf32>
    %sub3A_334 = vector.broadcast %div3A_333 : vector<1x896xf32> to vector<96x896xf32>
    %sub3A_335 = arith.subf %add3A_327, %sub3A_334 : vector<96x896xf32>
    %mul3A_336 = arith.mulf %sub3A_335, %sub3A_335 : vector<96x896xf32>
    %reduce_sum3A_337 = arith.constant dense<0.000000e+00> : vector<896xf32>
    %reduce_sum3A_338 = vector.multi_reduction <add>, %mul3A_336, %reduce_sum3A_337 [0] : vector<96x896xf32> to vector<896xf32>
    %broadcast_in_dim3A_339 = vector.shape_cast %reduce_sum3A_338 : vector<896xf32> to vector<1x896xf32>
    %div3A_340 = arith.constant 9.600000e+01 : f32
    %div3A_341 = vector.broadcast %div3A_340 : f32 to vector<1x896xf32>
    %div3A_342 = arith.divf %broadcast_in_dim3A_339, %div3A_341 : vector<1x896xf32>
    %add3A_343 = arith.constant 9.99999997E-7 : f32
    %add3A_344 = vector.broadcast %add3A_343 : f32 to vector<1x896xf32>
    %add3A_345 = arith.addf %div3A_342, %add3A_344 : vector<1x896xf32>
    %rsqrt3A_346 = math.rsqrt %add3A_345 : vector<1x896xf32>
    %mul3A_347 = vector.broadcast %rsqrt3A_346 : vector<1x896xf32> to vector<96x896xf32>
    %mul3A_348 = arith.mulf %sub3A_335, %mul3A_347 : vector<96x896xf32>
    %get3A_349 = arith.constant 0 : index
    %get3A_350 = arith.constant 0 : index
    %get3A_351 = arith.constant 1 : index
    %get3A_352 = vector.load %arg6[%get3A_349, %get3A_350, %get3A_351] : memref<1x96x3xf32, #tpu.memory_space<vmem>>, vector<1x96x1xf32>
    %get3A_353 = vector.shape_cast %get3A_352 : vector<1x96x1xf32> to vector<96x1xf32>
    %mul3A_354 = vector.broadcast %get3A_353 : vector<96x1xf32> to vector<96x896xf32>
    %mul3A_355 = arith.mulf %mul3A_348, %mul3A_354 : vector<96x896xf32>
    %get3A_356 = arith.constant 0 : index
    %get3A_357 = arith.constant 0 : index
    %get3A_358 = arith.constant 2 : index
    %get3A_359 = vector.load %arg6[%get3A_356, %get3A_357, %get3A_358] : memref<1x96x3xf32, #tpu.memory_space<vmem>>, vector<1x96x1xf32>
    %get3A_360 = vector.shape_cast %get3A_359 : vector<1x96x1xf32> to vector<96x1xf32>
    %add3A_361 = vector.broadcast %get3A_360 : vector<96x1xf32> to vector<96x896xf32>
    %add3A_362 = arith.addf %mul3A_355, %add3A_361 : vector<96x896xf32>
    %add3A_363 = arith.constant 0 : i32
    %add3A_364 = arith.addi %add3A_363, %arg0 : i32
    %get3A_365 = arith.index_cast %add3A_364 : i32 to index
    %get3A_366 = memref.load %arg2[%get3A_365] : memref<32xf32, #tpu.memory_space<smem>>
    %mul3A_367 = vector.broadcast %get3A_366 : f32 to vector<96x896xf32>
    %mul3A_368 = arith.mulf %add3A_362, %mul3A_367 : vector<96x896xf32>
    %slice3A_369 = vector.extract_strided_slice %dot_general3A_319 {offsets = [96, 0], sizes = [96, 896], strides = [1, 1]} : vector<192x896xf32> to vector<96x896xf32>
    %get3A_370 = arith.constant 0 : index
    %get3A_371 = arith.constant 0 : index
    %get3A_372 = arith.constant 0 : index
    %get3A_373 = vector.load %arg7[%get3A_370, %get3A_371, %get3A_372] : memref<1x96x3xf32, #tpu.memory_space<vmem>>, vector<1x96x1xf32>
    %get3A_374 = vector.shape_cast %get3A_373 : vector<1x96x1xf32> to vector<96x1xf32>
    %add3A_375 = vector.broadcast %get3A_374 : vector<96x1xf32> to vector<96x896xf32>
    %add3A_376 = arith.addf %slice3A_369, %add3A_375 : vector<96x896xf32>
    %reduce_sum3A_377 = arith.constant dense<0.000000e+00> : vector<896xf32>
    %reduce_sum3A_378 = vector.multi_reduction <add>, %add3A_376, %reduce_sum3A_377 [0] : vector<96x896xf32> to vector<896xf32>
    %broadcast_in_dim3A_379 = vector.shape_cast %reduce_sum3A_378 : vector<896xf32> to vector<1x896xf32>
    %div3A_380 = arith.constant 9.600000e+01 : f32
    %div3A_381 = vector.broadcast %div3A_380 : f32 to vector<1x896xf32>
    %div3A_382 = arith.divf %broadcast_in_dim3A_379, %div3A_381 : vector<1x896xf32>
    %sub3A_383 = vector.broadcast %div3A_382 : vector<1x896xf32> to vector<96x896xf32>
    %sub3A_384 = arith.subf %add3A_376, %sub3A_383 : vector<96x896xf32>
    %mul3A_385 = arith.mulf %sub3A_384, %sub3A_384 : vector<96x896xf32>
    %reduce_sum3A_386 = arith.constant dense<0.000000e+00> : vector<896xf32>
    %reduce_sum3A_387 = vector.multi_reduction <add>, %mul3A_385, %reduce_sum3A_386 [0] : vector<96x896xf32> to vector<896xf32>
    %broadcast_in_dim3A_388 = vector.shape_cast %reduce_sum3A_387 : vector<896xf32> to vector<1x896xf32>
    %div3A_389 = arith.constant 9.600000e+01 : f32
    %div3A_390 = vector.broadcast %div3A_389 : f32 to vector<1x896xf32>
    %div3A_391 = arith.divf %broadcast_in_dim3A_388, %div3A_390 : vector<1x896xf32>
    %add3A_392 = arith.constant 9.99999997E-7 : f32
    %add3A_393 = vector.broadcast %add3A_392 : f32 to vector<1x896xf32>
    %add3A_394 = arith.addf %div3A_391, %add3A_393 : vector<1x896xf32>
    %rsqrt3A_395 = math.rsqrt %add3A_394 : vector<1x896xf32>
    %mul3A_396 = vector.broadcast %rsqrt3A_395 : vector<1x896xf32> to vector<96x896xf32>
    %mul3A_397 = arith.mulf %sub3A_384, %mul3A_396 : vector<96x896xf32>
    %get3A_398 = arith.constant 0 : index
    %get3A_399 = arith.constant 0 : index
    %get3A_400 = arith.constant 1 : index
    %get3A_401 = vector.load %arg7[%get3A_398, %get3A_399, %get3A_400] : memref<1x96x3xf32, #tpu.memory_space<vmem>>, vector<1x96x1xf32>
    %get3A_402 = vector.shape_cast %get3A_401 : vector<1x96x1xf32> to vector<96x1xf32>
    %mul3A_403 = vector.broadcast %get3A_402 : vector<96x1xf32> to vector<96x896xf32>
    %mul3A_404 = arith.mulf %mul3A_397, %mul3A_403 : vector<96x896xf32>
    %get3A_405 = arith.constant 0 : index
    %get3A_406 = arith.constant 0 : index
    %get3A_407 = arith.constant 2 : index
    %get3A_408 = vector.load %arg7[%get3A_405, %get3A_406, %get3A_407] : memref<1x96x3xf32, #tpu.memory_space<vmem>>, vector<1x96x1xf32>
    %get3A_409 = vector.shape_cast %get3A_408 : vector<1x96x1xf32> to vector<96x1xf32>
    %add3A_410 = vector.broadcast %get3A_409 : vector<96x1xf32> to vector<96x896xf32>
    %add3A_411 = arith.addf %mul3A_404, %add3A_410 : vector<96x896xf32>
    %add3A_412 = arith.constant 16 : i32
    %add3A_413 = arith.addi %add3A_412, %arg0 : i32
    %get3A_414 = arith.index_cast %add3A_413 : i32 to index
    %get3A_415 = memref.load %arg2[%get3A_414] : memref<32xf32, #tpu.memory_space<smem>>
    %mul3A_416 = vector.broadcast %get3A_415 : f32 to vector<96x896xf32>
    %mul3A_417 = arith.mulf %add3A_411, %mul3A_416 : vector<96x896xf32>
    %add3A_418 = arith.addf %mul3A_368, %mul3A_417 : vector<96x896xf32>
    %swap3A_419 = arith.constant 0 : index
    %swap3A_420 = arith.constant 0 : index
    %swap3A_421 = arith.constant 1792 : index
    %swap3A_422 = vector.load %arg8[%swap3A_419, %swap3A_420, %swap3A_421] : memref<1x96x3080xf32, #tpu.memory_space<vmem>>, vector<1x96x896xf32>
    %swap3A_423 = vector.shape_cast %swap3A_422 : vector<1x96x896xf32> to vector<96x896xf32>
    %swap3A_424 = vector.shape_cast %add3A_418 : vector<96x896xf32> to vector<1x96x896xf32>
    tpu.vector_store %arg8[%swap3A_419, %swap3A_420, %swap3A_421], %swap3A_424 {strides = array<i32>} : memref<1x96x3080xf32, #tpu.memory_space<vmem>>, vector<1x96x896xf32>,
    %get3A_425 = arith.constant 0 : index
    %get3A_426 = arith.constant 0 : index
    %get3A_427 = arith.constant 2688 : index
    %get3A_428 = vector.load %arg3[%get3A_425, %get3A_426, %get3A_427] : memref<1x48x3136xf32, #tpu.memory_space<vmem>>, vector<1x48x392xf32>
    %get3A_429 = vector.shape_cast %get3A_428 : vector<1x48x392xf32> to vector<48x392xf32>
    %swap3A_430 = arith.constant 0 : index
    %swap3A_431 = arith.constant 0 : index
    %swap3A_432 = vector.load %arg9[%swap3A_430, %swap3A_431] : memref<192x896xf32, #tpu.memory_space<vmem>>, vector<48x392xf32>
    tpu.vector_store %arg9[%swap3A_430, %swap3A_431], %get3A_429 {strides = array<i32>} : memref<192x896xf32, #tpu.memory_space<vmem>>, vector<48x392xf32>,
    %get3A_433 = arith.constant 0 : index
    %get3A_434 = arith.constant 0 : index
    %get3A_435 = arith.constant 2689 : index
    %get3A_436 = vector.load %arg3[%get3A_433, %get3A_434, %get3A_435] : memref<1x48x3136xf32, #tpu.memory_space<vmem>>, vector<1x48x392xf32>
    %get3A_437 = vector.shape_cast %get3A_436 : vector<1x48x392xf32> to vector<48x392xf32>
    %swap3A_438 = arith.constant 48 : index
    %swap3A_439 = arith.constant 0 : index
    %swap3A_440 = vector.load %arg9[%swap3A_438, %swap3A_439] : memref<192x896xf32, #tpu.memory_space<vmem>>, vector<48x392xf32>
    tpu.vector_store %arg9[%swap3A_438, %swap3A_439], %get3A_437 {strides = array<i32>} : memref<192x896xf32, #tpu.memory_space<vmem>>, vector<48x392xf32>,
    %get3A_441 = arith.constant 0 : index
    %get3A_442 = arith.constant 0 : index
    %get3A_443 = arith.constant 2744 : index
    %get3A_444 = vector.load %arg3[%get3A_441, %get3A_442, %get3A_443] : memref<1x48x3136xf32, #tpu.memory_space<vmem>>, vector<1x48x392xf32>
    %get3A_445 = vector.shape_cast %get3A_444 : vector<1x48x392xf32> to vector<48x392xf32>
    %swap3A_446 = arith.constant 96 : index
    %swap3A_447 = arith.constant 0 : index
    %swap3A_448 = vector.load %arg9[%swap3A_446, %swap3A_447] : memref<192x896xf32, #tpu.memory_space<vmem>>, vector<48x392xf32>
    tpu.vector_store %arg9[%swap3A_446, %swap3A_447], %get3A_445 {strides = array<i32>} : memref<192x896xf32, #tpu.memory_space<vmem>>, vector<48x392xf32>,
    %get3A_449 = arith.constant 0 : index
    %get3A_450 = arith.constant 0 : index
    %get3A_451 = arith.constant 2745 : index
    %get3A_452 = vector.load %arg3[%get3A_449, %get3A_450, %get3A_451] : memref<1x48x3136xf32, #tpu.memory_space<vmem>>, vector<1x48x391xf32>
    %get3A_453 = vector.shape_cast %get3A_452 : vector<1x48x391xf32> to vector<48x391xf32>
    %swap3A_454 = arith.constant 144 : index
    %swap3A_455 = arith.constant 0 : index
    %swap3A_456 = vector.load %arg9[%swap3A_454, %swap3A_455] : memref<192x896xf32, #tpu.memory_space<vmem>>, vector<48x391xf32>
    tpu.vector_store %arg9[%swap3A_454, %swap3A_455], %get3A_453 {strides = array<i32>} : memref<192x896xf32, #tpu.memory_space<vmem>>, vector<48x391xf32>,
    %get3A_457 = arith.constant 0 : index
    %get3A_458 = arith.constant 0 : index
    %get3A_459 = vector.load %arg9[%get3A_457, %get3A_458] : memref<192x896xf32, #tpu.memory_space<vmem>>, vector<192x392xf32>
    %dot_general3A_460 = arith.constant dense<0.000000e+00> : vector<192x392xf32>
    %dot_general3A_461 = tpu.matmul %concatenate3A, %get3A_459, %dot_general3A_460 {dimension_numbers = #tpu.dot_dimension_numbers<[1], [0], [0], [1], [0, 0, 1, 1], [], []>, transpose_lhs_hint = false} : vector<192x192xf32>, vector<192x392xf32>, vector<192x392xf32> -> vector<192x392xf32>
    %slice3A_462 = vector.extract_strided_slice %dot_general3A_461 {offsets = [0, 0], sizes = [96, 392], strides = [1, 1]} : vector<192x392xf32> to vector<96x392xf32>
    %get3A_463 = arith.constant 0 : index
    %get3A_464 = arith.constant 0 : index
    %get3A_465 = arith.constant 0 : index
    %get3A_466 = vector.load %arg6[%get3A_463, %get3A_464, %get3A_465] : memref<1x96x3xf32, #tpu.memory_space<vmem>>, vector<1x96x1xf32>
    %get3A_467 = vector.shape_cast %get3A_466 : vector<1x96x1xf32> to vector<96x1xf32>
    %add3A_468 = vector.broadcast %get3A_467 : vector<96x1xf32> to vector<96x392xf32>
    %add3A_469 = arith.addf %slice3A_462, %add3A_468 : vector<96x392xf32>
    %reduce_sum3A_470 = arith.constant dense<0.000000e+00> : vector<392xf32>
    %reduce_sum3A_471 = vector.multi_reduction <add>, %add3A_469, %reduce_sum3A_470 [0] : vector<96x392xf32> to vector<392xf32>
    %broadcast_in_dim3A_472 = vector.shape_cast %reduce_sum3A_471 : vector<392xf32> to vector<1x392xf32>
    %div3A_473 = arith.constant 9.600000e+01 : f32
    %div3A_474 = vector.broadcast %div3A_473 : f32 to vector<1x392xf32>
    %div3A_475 = arith.divf %broadcast_in_dim3A_472, %div3A_474 : vector<1x392xf32>
    %sub3A_476 = vector.broadcast %div3A_475 : vector<1x392xf32> to vector<96x392xf32>
    %sub3A_477 = arith.subf %add3A_469, %sub3A_476 : vector<96x392xf32>
    %mul3A_478 = arith.mulf %sub3A_477, %sub3A_477 : vector<96x392xf32>
    %reduce_sum3A_479 = arith.constant dense<0.000000e+00> : vector<392xf32>
    %reduce_sum3A_480 = vector.multi_reduction <add>, %mul3A_478, %reduce_sum3A_479 [0] : vector<96x392xf32> to vector<392xf32>
    %broadcast_in_dim3A_481 = vector.shape_cast %reduce_sum3A_480 : vector<392xf32> to vector<1x392xf32>
    %div3A_482 = arith.constant 9.600000e+01 : f32
    %div3A_483 = vector.broadcast %div3A_482 : f32 to vector<1x392xf32>
    %div3A_484 = arith.divf %broadcast_in_dim3A_481, %div3A_483 : vector<1x392xf32>
    %add3A_485 = arith.constant 9.99999997E-7 : f32
    %add3A_486 = vector.broadcast %add3A_485 : f32 to vector<1x392xf32>
    %add3A_487 = arith.addf %div3A_484, %add3A_486 : vector<1x392xf32>
    %rsqrt3A_488 = math.rsqrt %add3A_487 : vector<1x392xf32>
    %mul3A_489 = vector.broadcast %rsqrt3A_488 : vector<1x392xf32> to vector<96x392xf32>
    %mul3A_490 = arith.mulf %sub3A_477, %mul3A_489 : vector<96x392xf32>
    %get3A_491 = arith.constant 0 : index
    %get3A_492 = arith.constant 0 : index
    %get3A_493 = arith.constant 1 : index
    %get3A_494 = vector.load %arg6[%get3A_491, %get3A_492, %get3A_493] : memref<1x96x3xf32, #tpu.memory_space<vmem>>, vector<1x96x1xf32>
    %get3A_495 = vector.shape_cast %get3A_494 : vector<1x96x1xf32> to vector<96x1xf32>
    %mul3A_496 = vector.broadcast %get3A_495 : vector<96x1xf32> to vector<96x392xf32>
    %mul3A_497 = arith.mulf %mul3A_490, %mul3A_496 : vector<96x392xf32>
    %get3A_498 = arith.constant 0 : index
    %get3A_499 = arith.constant 0 : index
    %get3A_500 = arith.constant 2 : index
    %get3A_501 = vector.load %arg6[%get3A_498, %get3A_499, %get3A_500] : memref<1x96x3xf32, #tpu.memory_space<vmem>>, vector<1x96x1xf32>
    %get3A_502 = vector.shape_cast %get3A_501 : vector<1x96x1xf32> to vector<96x1xf32>
    %add3A_503 = vector.broadcast %get3A_502 : vector<96x1xf32> to vector<96x392xf32>
    %add3A_504 = arith.addf %mul3A_497, %add3A_503 : vector<96x392xf32>
    %add3A_505 = arith.constant 0 : i32
    %add3A_506 = arith.addi %add3A_505, %arg0 : i32
    %get3A_507 = arith.index_cast %add3A_506 : i32 to index
    %get3A_508 = memref.load %arg2[%get3A_507] : memref<32xf32, #tpu.memory_space<smem>>
    %mul3A_509 = vector.broadcast %get3A_508 : f32 to vector<96x392xf32>
    %mul3A_510 = arith.mulf %add3A_504, %mul3A_509 : vector<96x392xf32>
    %slice3A_511 = vector.extract_strided_slice %dot_general3A_461 {offsets = [96, 0], sizes = [96, 392], strides = [1, 1]} : vector<192x392xf32> to vector<96x392xf32>
    %get3A_512 = arith.constant 0 : index
    %get3A_513 = arith.constant 0 : index
    %get3A_514 = arith.constant 0 : index
    %get3A_515 = vector.load %arg7[%get3A_512, %get3A_513, %get3A_514] : memref<1x96x3xf32, #tpu.memory_space<vmem>>, vector<1x96x1xf32>
    %get3A_516 = vector.shape_cast %get3A_515 : vector<1x96x1xf32> to vector<96x1xf32>
    %add3A_517 = vector.broadcast %get3A_516 : vector<96x1xf32> to vector<96x392xf32>
    %add3A_518 = arith.addf %slice3A_511, %add3A_517 : vector<96x392xf32>
    %reduce_sum3A_519 = arith.constant dense<0.000000e+00> : vector<392xf32>
    %reduce_sum3A_520 = vector.multi_reduction <add>, %add3A_518, %reduce_sum3A_519 [0] : vector<96x392xf32> to vector<392xf32>
    %broadcast_in_dim3A_521 = vector.shape_cast %reduce_sum3A_520 : vector<392xf32> to vector<1x392xf32>
    %div3A_522 = arith.constant 9.600000e+01 : f32
    %div3A_523 = vector.broadcast %div3A_522 : f32 to vector<1x392xf32>
    %div3A_524 = arith.divf %broadcast_in_dim3A_521, %div3A_523 : vector<1x392xf32>
    %sub3A_525 = vector.broadcast %div3A_524 : vector<1x392xf32> to vector<96x392xf32>
    %sub3A_526 = arith.subf %add3A_518, %sub3A_525 : vector<96x392xf32>
    %mul3A_527 = arith.mulf %sub3A_526, %sub3A_526 : vector<96x392xf32>
    %reduce_sum3A_528 = arith.constant dense<0.000000e+00> : vector<392xf32>
    %reduce_sum3A_529 = vector.multi_reduction <add>, %mul3A_527, %reduce_sum3A_528 [0] : vector<96x392xf32> to vector<392xf32>
    %broadcast_in_dim3A_530 = vector.shape_cast %reduce_sum3A_529 : vector<392xf32> to vector<1x392xf32>
    %div3A_531 = arith.constant 9.600000e+01 : f32
    %div3A_532 = vector.broadcast %div3A_531 : f32 to vector<1x392xf32>
    %div3A_533 = arith.divf %broadcast_in_dim3A_530, %div3A_532 : vector<1x392xf32>
    %add3A_534 = arith.constant 9.99999997E-7 : f32
    %add3A_535 = vector.broadcast %add3A_534 : f32 to vector<1x392xf32>
    %add3A_536 = arith.addf %div3A_533, %add3A_535 : vector<1x392xf32>
    %rsqrt3A_537 = math.rsqrt %add3A_536 : vector<1x392xf32>
    %mul3A_538 = vector.broadcast %rsqrt3A_537 : vector<1x392xf32> to vector<96x392xf32>
    %mul3A_539 = arith.mulf %sub3A_526, %mul3A_538 : vector<96x392xf32>
    %get3A_540 = arith.constant 0 : index
    %get3A_541 = arith.constant 0 : index
    %get3A_542 = arith.constant 1 : index
    %get3A_543 = vector.load %arg7[%get3A_540, %get3A_541, %get3A_542] : memref<1x96x3xf32, #tpu.memory_space<vmem>>, vector<1x96x1xf32>
    %get3A_544 = vector.shape_cast %get3A_543 : vector<1x96x1xf32> to vector<96x1xf32>
    %mul3A_545 = vector.broadcast %get3A_544 : vector<96x1xf32> to vector<96x392xf32>
    %mul3A_546 = arith.mulf %mul3A_539, %mul3A_545 : vector<96x392xf32>
    %get3A_547 = arith.constant 0 : index
    %get3A_548 = arith.constant 0 : index
    %get3A_549 = arith.constant 2 : index
    %get3A_550 = vector.load %arg7[%get3A_547, %get3A_548, %get3A_549] : memref<1x96x3xf32, #tpu.memory_space<vmem>>, vector<1x96x1xf32>
    %get3A_551 = vector.shape_cast %get3A_550 : vector<1x96x1xf32> to vector<96x1xf32>
    %add3A_552 = vector.broadcast %get3A_551 : vector<96x1xf32> to vector<96x392xf32>
    %add3A_553 = arith.addf %mul3A_546, %add3A_552 : vector<96x392xf32>
    %add3A_554 = arith.constant 16 : i32
    %add3A_555 = arith.addi %add3A_554, %arg0 : i32
    %get3A_556 = arith.index_cast %add3A_555 : i32 to index
    %get3A_557 = memref.load %arg2[%get3A_556] : memref<32xf32, #tpu.memory_space<smem>>
    %mul3A_558 = vector.broadcast %get3A_557 : f32 to vector<96x392xf32>
    %mul3A_559 = arith.mulf %add3A_553, %mul3A_558 : vector<96x392xf32>
    %add3A_560 = arith.addf %mul3A_510, %mul3A_559 : vector<96x392xf32>
    %swap3A_561 = arith.constant 0 : index
    %swap3A_562 = arith.constant 0 : index
    %swap3A_563 = arith.constant 2688 : index
    %swap3A_564 = vector.load %arg8[%swap3A_561, %swap3A_562, %swap3A_563] : memref<1x96x3080xf32, #tpu.memory_space<vmem>>, vector<1x96x392xf32>
    %swap3A_565 = vector.shape_cast %swap3A_564 : vector<1x96x392xf32> to vector<96x392xf32>
    %swap3A_566 = vector.shape_cast %add3A_560 : vector<96x392xf32> to vector<1x96x392xf32>
    tpu.vector_store %arg8[%swap3A_561, %swap3A_562, %swap3A_563], %swap3A_566 {strides = array<i32>} : memref<1x96x3080xf32, #tpu.memory_space<vmem>>, vector<1x96x392xf32>,
    return
  }
  func.func @transform_0(%arg0: i32, %arg1: memref<32xi32, #tpu.memory_space<smem>>, %arg2: memref<32xf32, #tpu.memory_space<smem>>) -> (i32, i32, i32) {
    %c0_i32 = arith.constant 0 : i32
    %c0_i32_0 = arith.constant 0 : i32
    %c0_i32_1 = arith.constant 0 : i32
    return %arg0, %c0_i32, %c0_i32_0 : i32, i32, i32
  }
  func.func @transform_1(%arg0: i32, %arg1: memref<32xi32, #tpu.memory_space<smem>>, %arg2: memref<32xf32, #tpu.memory_space<smem>>) -> (i32, i32, i32) {
    %get3A = arith.index_cast %arg0 : i32 to index
    %get3A_0 = memref.load %arg1[%get3A] : memref<32xi32, #tpu.memory_space<smem>>
    %c0_i32 = arith.constant 0 : i32
    %c0_i32_1 = arith.constant 0 : i32
    %c0_i32_2 = arith.constant 0 : i32
    return %get3A_0, %c0_i32, %c0_i32_1 : i32, i32, i32
  }
  func.func @transform_2(%arg0: i32, %arg1: memref<32xi32, #tpu.memory_space<smem>>, %arg2: memref<32xf32, #tpu.memory_space<smem>>) -> (i32, i32, i32) {
    %add3A = arith.constant 16 : i32
    %add3A_0 = arith.addi %add3A, %arg0 : i32
    %get3A = arith.index_cast %add3A_0 : i32 to index
    %get3A_1 = memref.load %arg1[%get3A] : memref<32xi32, #tpu.memory_space<smem>>
    %c0_i32 = arith.constant 0 : i32
    %c0_i32_2 = arith.constant 0 : i32
    %c0_i32_3 = arith.constant 0 : i32
    return %get3A_1, %c0_i32, %c0_i32_2 : i32, i32, i32
  }
  func.func @transform_3(%arg0: i32, %arg1: memref<32xi32, #tpu.memory_space<smem>>, %arg2: memref<32xf32, #tpu.memory_space<smem>>) -> (i32, i32, i32) {
    %get3A = arith.index_cast %arg0 : i32 to index
    %get3A_0 = memref.load %arg1[%get3A] : memref<32xi32, #tpu.memory_space<smem>>
    %c0_i32 = arith.constant 0 : i32
    %c0_i32_1 = arith.constant 0 : i32
    %c0_i32_2 = arith.constant 0 : i32
    return %get3A_0, %c0_i32, %c0_i32_1 : i32, i32, i32
  }
  func.func @transform_4(%arg0: i32, %arg1: memref<32xi32, #tpu.memory_space<smem>>, %arg2: memref<32xf32, #tpu.memory_space<smem>>) -> (i32, i32, i32) {
    %add3A = arith.constant 16 : i32
    %add3A_0 = arith.addi %add3A, %arg0 : i32
    %get3A = arith.index_cast %add3A_0 : i32 to index
    %get3A_1 = memref.load %arg1[%get3A] : memref<32xi32, #tpu.memory_space<smem>>
    %c0_i32 = arith.constant 0 : i32
    %c0_i32_2 = arith.constant 0 : i32
    %c0_i32_3 = arith.constant 0 : i32
    return %get3A_1, %c0_i32, %c0_i32_2 : i32, i32, i32
  }
  func.func @transform_5(%arg0: i32, %arg1: memref<32xi32, #tpu.memory_space<smem>>, %arg2: memref<32xf32, #tpu.memory_space<smem>>) -> (i32, i32, i32) {
    %c0_i32 = arith.constant 0 : i32
    %c0_i32_0 = arith.constant 0 : i32
    %c0_i32_1 = arith.constant 0 : i32
    return %arg0, %c0_i32, %c0_i32_0 : i32, i32, i32
  }
}

</mosaic_0001>

<sc_bundles>
// kernel: kernel.4.cloned.1.call-start
scs
__scs_entry_jumppad:
0x0: {  	(pc) =	sbr.rel $0x88, $3  }
0x1: {  	(tag) =	ssettag $0x0;
	lr =	simm.s32 $0x1  }
0x2: {  	[smem:$0x3F9B] =	sst lr;
	_ =	strace $0xD0000000  }
0x3: {  	_ = 	snop  }
0x4: {  	_ = 	snop  }
0x5: {  	_ = 	snop  }
0x6: {  	_ = 	snop  }
0x7: {  	_ = 	snop  }
__scs_overlays_trampoline_lowered:
0x8: {  	[smem:$0x3FAA] =	sst s0  }
0x9: {  	[smem:$0x3FAB] =	sst s1  }
0xa: {  	[smem:$0x3FAC] =	sst s2  }
0xb: {  	[smem:$0x3FAD] =	sst s3  }
0xc: {  	[smem:$0x3FAE] =	sst s4  }
0xd: {  	[smem:$0x3FAF] =	sst s5  }
0xe: {  	[smem:$0x3FB0] =	sst s6  }
0xf: {  	[smem:$0x3FB1] =	sst s7  }
0x10: {  	[smem:$0x3FB2] =	sst s8  }
0x11: {  	[smem:$0x3FB3] =	sst s9;
	s0 =	simm.s32 @!p0 $0x0  }
0x12: {  	s1 =	sld [smem:$0x3F99];
	s0 =	simm.s32 @p0 $0x1  }
0x13: {  	[smem:$0x3FB4] =	sst s0;
	s0 =	simm.s32 @!p1 $0x0  }
0x14: {  	s2 =	sld [smem:$0x3F98];
	s0 =	simm.s32 @p1 $0x1  }
0x15: {  	[smem:$0x3FB5] =	sst s0;
	s0 =	simm.s32 @!p2 $0x0  }
0x16: {  	s3 =	sld [smem:$0x3FDB];
	s0 =	simm.s32 @p2 $0x1  }
0x17: {  	s4 =	simm.s32 $0x1BF5;
	[smem:$0x3FB7] =	sst s0  }
0x18: {  	s0 =	sld [smem:$0x3F9A];
	_ =	swait.ge [sflag:s4], $0x0  }
0x19: {  	s7 =	sld [smem:$0x3F9B]  }
0x1a: {  	s8 =	sadd.s32 $0xFFFFE003, lr  }
0x1b: {  	s9 =	sadd.s32 $0xFFFFFEF7, lr;
	s5 =	simm.s32 $0xFFFFFFFF;
	p2 =	slt.u32 s8, $0xFFFFF086  }
0x1c: {  	p1 =	slt.u32 s9, $0xF7A;
	s5 =	simm.s32 @!p2 $0x0  }
0x1d: {  	s5 =	simm.s32 @p1 $0x1;
	p0 =	seq.s32 s7, s2  }
0x1e: {  	s7 =	smul.u32 @!p0 $0xF7A, s2;
	p2 =	seq.s32 @!p0 s5, $0x0  }
0x1f: {  	s9 =	smul.u32 $0xF7A, s1;
	s8 =	simm.s32 @!p0 $0x1BF5;
	p2 =	por !p2, p0  }
0x20: {  	[sflag:s8] =	ssyncset.s32 @!p0 $0xFFFFF086;
	s6 =	sadd.s32 @!p0 s3, s7;
	s7 =	simm.s32 @!p0 $0x108  }
0x21: {  	s3 =	sadd.s32 s3, s9;
	s6 =	sadd.s32 @!p0 $0x88, s6;
	s7 =	simm.s32 @p2 $0x1082  }
0x22: {  	[simem:s7], [sflag:s8] =	dma.local @!p0 [hbm:s6], $0xF7A  }
0x23: {  	s9 =	sor.u32 $0xD0000000, s2;
	s6 =	simm.s32 $0x108;
	_ =	swait.ge @!p0 [sflag:s8], $0x0  }
0x24: {  	s3 =	sadd.s32 $0x88, s3;
	s6 =	simm.s32 @!p1 $0x1082;
	[sflag:s4] =	ssyncset.s32 $0xFFFFF086  }
0x25: {  	[simem:s6], [sflag:s4] =	dma.local [hbm:s3], $0xF7A  }
0x26: {  	[smem:$0x3F9B] =	sst s1;
	(tag) =	ssettag s2;
	_ =	strace s9  }
0x27: {  	s1 =	sld [smem:$0x3FAB]  }
0x28: {  	s2 =	sld [smem:$0x3FAC]  }
0x29: {  	s4 =	sld [smem:$0x3FAE]  }
0x2a: {  	p0 =	seq.s32 s5, $0x0;
	s5 =	sld [smem:$0x3FAF]  }
0x2b: {  	s6 =	sld [smem:$0x3FB0]  }
0x2c: {  	s7 =	sld [smem:$0x3FB1]  }
0x2d: {  	s3 =	simm.s32 $0x108;
	s8 =	sld [smem:$0x3FB2]  }
0x2e: {  	s3 =	simm.s32 @!p0 $0x1082;
	s9 =	sld [smem:$0x3FB3]  }
0x2f: {  	lr =	sadd.s32 s0, s3;
	s0 =	sld [smem:$0x3FAA]  }
0x30: {  	s3 =	sld [smem:$0x3FAD]  }
0x31: {  	[smem:$0x3FB6] =	sst s10  }
0x32: {  	s10 =	sld [smem:$0x3FB4];
	_ =	sdelay $0x3  }
0x33: {  	p0 =	seq.s32 s10, $0x1;
	s10 =	sld [smem:$0x3FB6];
	_ =	sdelay $0x3  }
0x34: {  	[smem:$0x3FB6] =	sst s10  }
0x35: {  	s10 =	sld [smem:$0x3FB5];
	_ =	sdelay $0x3  }
0x36: {  	p1 =	seq.s32 s10, $0x1;
	s10 =	sld [smem:$0x3FB6];
	_ =	sdelay $0x3  }
0x37: {  	[smem:$0x3FB6] =	sst s10  }
0x38: {  	s10 =	sld [smem:$0x3FB7]  }
0x39: {  	_ = 	snop;
	(pc) =	sbr.ind lr, $3  }
0x3a: {  	_ = 	snop  }
0x3b: {  	_ = 	snop  }
0x3c: {  	p2 =	seq.s32 s10, $0x1;
	s10 =	sld [smem:$0x3FB6]  }
0x3d: {  	_ =	shalt  }
0x3e: {  	_ =	shalt  }
0x3f: {  	_ =	shalt  }
0x40: {  	_ =	shalt  }
0x41: {  	_ =	shalt  }
0x42: {  	_ =	shalt  }
0x43: {  	_ =	shalt  }
0x44: {  	_ =	shalt  }
0x45: {  	_ =	shalt  }
0x46: {  	_ =	shalt  }
0x47: {  	_ =	shalt  }
0x48: {  	_ =	shalt  }
0x49: {  	_ =	shalt  }
0x4a: {  	_ =	shalt  }
0x4b: {  	_ =	shalt  }
0x4c: {  	_ =	shalt  }
0x4d: {  	_ =	shalt  }
0x4e: {  	_ =	shalt  }
0x4f: {  	_ =	shalt  }
0x50: {  	_ =	shalt  }
0x51: {  	_ =	shalt  }
0x52: {  	_ =	shalt  }
0x53: {  	_ =	shalt  }
0x54: {  	_ =	shalt  }
0x55: {  	_ =	shalt  }
0x56: {  	_ =	shalt  }
0x57: {  	_ =	shalt  }
0x58: {  	_ =	shalt  }
0x59: {  	_ =	shalt  }
0x5a: {  	_ =	shalt  }
0x5b: {  	_ =	shalt  }
0x5c: {  	_ =	shalt  }
0x5d: {  	_ =	shalt  }
0x5e: {  	_ =	shalt  }
0x5f: {  	_ =	shalt  }
0x60: {  	_ =	shalt  }
0x61: {  	_ =	shalt  }
0x62: {  	_ =	shalt  }
0x63: {  	_ =	shalt  }
0x64: {  	_ =	shalt  }
0x65: {  	_ =	shalt  }
0x66: {  	_ =	shalt  }
0x67: {  	_ =	shalt  }
0x68: {  	_ =	shalt  }
0x69: {  	_ =	shalt  }
0x6a: {  	_ =	shalt  }
0x6b: {  	_ =	shalt  }
0x6c: {  	_ =	shalt  }
0x6d: {  	_ =	shalt  }
0x6e: {  	_ =	shalt  }
0x6f: {  	_ =	shalt  }
0x70: {  	_ =	shalt  }
0x71: {  	_ =	shalt  }
0x72: {  	_ =	shalt  }
0x73: {  	_ =	shalt  }
0x74: {  	_ =	shalt  }
0x75: {  	_ =	shalt  }
0x76: {  	_ =	shalt  }
0x77: {  	_ =	shalt  }
0x78: {  	_ =	shalt  }
0x79: {  	_ =	shalt  }
0x7a: {  	_ =	shalt  }
0x7b: {  	_ =	shalt  }
0x7c: {  	_ =	shalt  }
0x7d: {  	_ =	shalt  }
0x7e: {  	_ =	shalt  }
0x7f: {  	_ =	shalt  }
0x80: {  	_ =	shalt  }
0x81: {  	_ =	shalt  }
0x82: {  	_ =	shalt  }
0x83: {  	_ =	shalt  }
0x84: {  	_ =	shalt  }
0x85: {  	_ =	shalt  }
0x86: {  	_ =	shalt  }
0x87: {  	_ =	shalt  }
.Lfunc_end0:
.L_simem_size_0:
called_computation_lowered:
.L_overlay_start_0:
0x88: {  	s2 =	sld [smem:$0x3FD9]  }
0x89: {  	s3 =	sld [smem:$0x3FFE];
	_ =	sdelay $0x1  }
0x8a: {  	s1 =	srdreg.scid  }
0x8b: {  	s0 =	sand.u32 $0x1, s1  }
0x8c: {  	s17 =	sshll.u32 s0, $0xA;
	s2 =	sadd.s32 s3, s2  }
0x8d: {  	s2 =	sadd.s32 s2, s17  }
0x8e: {  	[smem:$0x3FC2] =	sst s2  }
0x8f: {  	_ = 	snop  }
0x90: {  	s2 =	sld [smem:$0x3FD0];
	(tm) =	ssettm $0x1  }
0x91: {  	s18 =	sld [smem:$0x3FFB];
	_ =	sdelay $0x3  }
0x92: {  	_ =	strace s18  }
0x93: {  	s3 =	sld [smem:$0x3FFC];
	_ =	sdelay $0x3  }
0x94: {  	_ =	strace s3  }
0x95: {  	s3 =	sld [smem:$0x3FFD];
	_ =	sdelay $0x3  }
0x96: {  	_ =	strace s3  }
0x97: {  	_ =	strace $0x8FFFFFFF  }
0x98: {  	s19 =	sld [smem:$0x3FDB];
	_ =	sdelay $0x1  }
0x99: {  	s4 =	simm.s32 $_scs_section_size  }
0x9a: {  	s5 =	simm.s32 $_size__tile_overlayer_lowered;
	s6 =	simm.s32 $_tile_overlayer_lowered  }
0x9b: {  	s22 =	simm.s32 $0x1BFF;
	s21 =	sshll.u32 s6, $0x1;
	s3 =	sadd.s32 s4, s19  }
0x9c: {  	s7 =	simm.s32 $0x0;
	s20 =	sshll.u32 s5, $0x1;
	s5 =	sadd.s32 s21, s3  }
0x9d: {  	[timem:s7], [sflag:s22] =	dma.local [hbm:s5], s20  }
0x9e: {  	_ =	swait.ge [sflag:s22], s20  }
0x9f: {  	s4 =	ssub.s32 $0x0, s20;
	[sflag:s22] =	ssyncset.done $0x0  }
0xa0: {  	[sflag:s22] =	ssyncadd.s32 s4;
	_ =	sdelay $0x1  }
0xa1: {  	s23 =	simm.s32 $0x1B8B  }
0xa2: {  	_ =	swait.ge [sflag:s23], $0x1  }
0xa3: {  	[sflag:s23] =	ssyncset.done $0x0  }
0xa4: {  	s25 =	simm.s32 $0x1B8E;
	s24 =	sld [smem:$0x3FFE];
	[sflag:s23] =	ssyncadd.s32 $0xFFFFFFFF  }
0xa5: {  	s26 =	simm.s32 $execute0_lowered;
	[smem:$0x3FD2] =	sst s25  }
0xa6: {  	s5 =	sshll.u32 s26, $0x1;
	_ =	strace $0x80000046;
	[dreg:$0x1] =	wrdreg $0xFFFFFFFF  }
0xa7: {  	s28 =	simm.s32 $_size_execute0_lowered;
	s3 =	sadd.s32 s3, s5;
	[dreg:$0x0] =	wrdreg $0x0  }
0xa8: {  	s5 =	sshll.u32 s28, $0x1;
	[dreg:$0x2] =	wrdreg s3  }
0xa9: {  	[dreg:$0x3] =	wrdreg s5  }
0xaa: {  	[dreg:$0x4] =	wrdreg $0xC0  }
0xab: {  	_ =	task [dreg:s7], $0x5FFFF  }
0xac: {  	[dreg:$0x1] =	wrdreg $0xFFFFFFFF  }
0xad: {  	[dreg:$0x0] =	wrdreg $0x60  }
0xae: {  	[dreg:$0x2] =	wrdreg s2  }
0xaf: {  	[dreg:$0x3] =	wrdreg s24  }
0xb0: {  	[dreg:$0x4] =	wrdreg $0x9  }
0xb1: {  	_ =	task.clear_ibuf [dreg:s7], $0x5FFFF;
	_ =	strace $0x90000046  }
0xb2: {  	s29 =	simm.s32 $0x9;
	_ =	strace $0x80000048  }
0xb3: {  	_ =	swait.ge [sflag:s29], $0x1  }
0xb4: {  	[sflag:s29] =	ssyncadd.s32 $0xFFFFFFFF  }
0xb5: {  	_ =	strace $0x90000048  }
0xb6: {  	_ =	sfence  }
0xb7: {  	s30 =	sld [smem:$0x0];
	_ =	sdelay $0x2  }
0xb8: {  	s31 =	sshll.u32 s1, $0xD;
	s1 =	sshrl.u32 s1, $0x2  }
0xb9: {  	s3 =	sand.u32 $0x4000, s31;
	s1 =	sadd.s32 s1, s30  }
0xba: {  	s0 =	sor.u32 s3, s0;
	s1 =	sshll.u32 s1, $0x11  }
0xbb: {  	s0 =	sor.u32 s1, s0  }
0xbc: {  	s0 =	sadd.s32 $0x8F2B, s0  }
0xbd: {  	[sflag:s0] =	ssyncadd.remote.s32 $0x1  }
0xbe: {  	_ =	sfence.sel $0xFFFF  }
0xbf: {  	[dreg:$0x0] =	wrdreg $0xFFFFFFFF;
	(pc) =	sbr.abs _section_cstart, $3  }
0xc0: {  	[dreg:$0x1] =	wrdreg $0xFFFFFFFF  }
0xc1: {  	_ =	task.clear_ibuf [dreg:s7], $0x2FFFF;
	_ =	strace $0x9FFFFFFF  }
0xc2: {  	(tm) =	ssettm $0x7FFFFFFF  }
0xc3: {  	_ =	shalt  }
tec
execute0_lowered:
.L_overlay_start_1:
0x0: {  	(tag) =	ssettag $0x1  }
0x1: {  	s0 =	srdreg.scid  }
0x2: {  	s6 =	sand.u32 $0x1, s0;
	s0 =	stileid.u32  }
0x3: {  	s3 =	sshll.u32 s0, $0x1;
	s4 =	ssub.s32 $0x0, s6  }
0x4: {  	p0 =	sne.s32 s3, s4  }
.Ltmp0:
0x5: {  	_ = 	snop;
	(pc) =	sbr.rel @p0 .LBB2_4-.Ltmp0, $4  }
0x6: {  	_ = 	snop  }
0x7: {  	s2 =	rddreg [dreg:$0x0]  }
0x8: {  	s7 =	rddreg [dreg:$0x1]  }
0x9: {  	s1 =	rddreg [dreg:$0x2];
	_ =	strace $0x80000047  }
0xa: {  	s4 =	simm.s32 $0x0;
	s3 =	simm.s32 $0x1  }
0xb: {  	[tilespmem:s4], [sflag:$0x1] =	stream.linear.gather [hbm4b:s2+s4], $0x400, $0x38;
	[tilespmem:$0x500] =	vst v63  }
0xc: {  	_ =	swait.ge [sflag:s3], $0x400  }
0xd: {  	[sflag:s3] =	ssyncset.done $0x0  }
0xe: {  	[sflag:s3] =	ssyncadd.s32 $0xFFFFFC00  }
0xf: {  	v0 =	vld [tilespmem:$0x0];
	_ =	sdelay $0x1  }
0x10: {  	v1 =	vld [tilespmem:$0x80];
	_ =	sdelay $0x2  }
0x11: {  	v2 =	vld [tilespmem:$0x100];
	vm0 =	vgt.f32 v0, $-3.000000010e+38  }
0x12: {  	v0 =	vnsel vm0, $0xFF61B1E6, v0  }
0x13: {  	vm2 =	vgt.f32 v1, $-3.000000010e+38;
	vm0 =	vgt.f32 v1, v0  }
0x14: {  	v4 =	vld [tilespmem:$0x180];
	v3 =	vnsel vm2, $0xFF61B1E6, v1;
	vm4 =	vmneg vm0  }
0x15: {  	v3 =	vsel vm4, v3, v0  }
0x16: {  	v0 =	vsel vm4, v0, v1;
	vm5 =	vgt.f32 v2, v3  }
0x17: {  	vm1 =	vgt.f32 v2, v0;
	v1 =	vsel vm5, v2, v3;
	v3 =	vld [tilespmem:$0x200]  }
0x18: {  	v1 =	vsel vm1, v0, v1  }
0x19: {  	v0 =	vsel vm1, v2, v0;
	vm6 =	vgt.f32 v4, v1  }
0x1a: {  	v2 =	vld [tilespmem:$0x280];
	vm3 =	vgt.f32 v4, v0;
	v1 =	vsel vm6, v4, v1  }
0x1b: {  	v1 =	vsel vm3, v0, v1  }
0x1c: {  	v0 =	vsel vm3, v4, v0;
	vm8 =	vgt.f32 v3, v1  }
0x1d: {  	v61 =	vld [tilespmem:$0x300];
	vm7 =	vgt.f32 v3, v0;
	v1 =	vsel vm8, v3, v1  }
0x1e: {  	v1 =	vsel vm7, v0, v1  }
0x1f: {  	v0 =	vsel vm7, v3, v0;
	vm10 =	vgt.f32 v2, v1  }
0x20: {  	v3 =	vld [tilespmem:$0x380];
	vm9 =	vgt.f32 v2, v0;
	v1 =	vsel vm10, v2, v1  }
0x21: {  	v1 =	vsel vm9, v0, v1  }
0x22: {  	v0 =	vsel vm9, v2, v0;
	vm12 =	vgt.f32 v61, v1  }
0x23: {  	vm11 =	vgt.f32 v61, v0;
	v1 =	vsel vm12, v61, v1  }
0x24: {  	v1 =	vsel vm11, v0, v1  }
0x25: {  	v0 =	vsel vm11, v61, v0;
	vm13 =	vgt.f32 v3, v1  }
0x26: {  	vm14 =	vgt.f32 v3, v0;
	v1 =	vsel vm13, v3, v1  }
0x27: {  	v1 =	vsel vm14, v0, v1;
	v0 =	vsel vm14, v3, v0  }
0x28: {  	v0 =	vsub.f32 v1, v0;
	_ =	sdelay $0x1  }
0x29: {  	v0 =	vmul.f32 $1.442695020e+00, v0;
	_ =	sdelay $0x1  }
0x2a: {  	(erf) = vpow2.f32 v0;
	_ =	sdelay $0x6  }
0x2b: {  	vm2 =	vmand vm2, vm4;
	v0 =	vimm.s32 $0x0  }
0x2c: {  	v1 =	vsel vm2, $0x1, v0  }
0x2d: {  	v3 =	vsel vm0, $0x1, v0;
	v1 =	vsel vm5, $0x2, v1;
	v2 =	vpop (erf)  }
0x2e: {  	v1 =	vsel vm1, v3, v1;
	v62 =	vadd.f32 $1.000000000e+00, v2  }
0x2f: {  	v3 =	vsel vm1, $0x2, v3;
	v1 =	vsel vm6, $0x3, v1  }
0x30: {  	v1 =	vsel vm3, v3, v1;
	(erf) = vrcp.f32 v62  }
0x31: {  	v3 =	vsel vm3, $0x3, v3;
	v1 =	vsel vm8, $0x4, v1  }
0x32: {  	v1 =	vsel vm7, v3, v1  }
0x33: {  	v3 =	vsel vm7, $0x4, v3;
	v1 =	vsel vm10, $0x5, v1  }
0x34: {  	v1 =	vsel vm9, v3, v1;
	v3 =	vsel vm9, $0x5, v3  }
0x35: {  	v1 =	vsel vm12, $0x6, v1;
	v63 =	vsel vm11, $0x6, v3  }
0x36: {  	v1 =	vsel vm11, v3, v1;
	v3 =	vsel vm14, $0x7, v63;
	_ =	sdelay $0x1  }
0x37: {  	v1 =	vsel vm13, $0x7, v1  }
0x38: {  	s8 =	ssub.s32 $0x2, s6;
	[tilespmem:$0x400] =	vst v3;
	v1 =	vsel vm14, v63, v1;
	v3 =	vpop (erf)  }
0x39: {  	s9 =	sshrl.u32 s8, $0x1;
	[tilespmem:$0x410] =	vst v1;
	v1 =	vmul.f32 v3, v2  }
0x3a: {  	s8 =	ssub.s32 s8, s9;
	[tilespmem:$0x480] =	vst v3  }
0x3b: {  	s5 =	sadd.s32 $0x1400, s7;
	s6 =	simm.s32 $0x400;
	s9 =	smax.u32 s8, $0x1;
	[tilespmem:$0x490] =	vst v1  }
0x3c: {  	[hbm4b:s5+s4] =	stream.linear.scatter [tilespmem:s6], [sflag:$0x1], $0x80, $0x38;
	[tilespmem:$0x500] =	vst v63  }
0x3d: {  	p0 =	sne.s32 s9, $0x1;
	_ =	swait.ge [sflag:s3], $0x80  }
.Ltmp1:
0x3e: {  	[sflag:s3] =	ssyncset.done $0x0;
	(pc) =	sbr.rel @!p0 .LBB2_3-.Ltmp1, $4  }
0x3f: {  	s7 =	sadd.s32 $0x1600, s7;
	s8 =	simm.s32 $0x480;
	[sflag:s3] =	ssyncadd.s32 $0xFFFFFF80  }
0x40: {  	[hbm4b:s7+s4] =	stream.linear.scatter [tilespmem:s8], [sflag:$0x1], $0x80, $0x38;
	[tilespmem:$0x500] =	vst v63  }
0x41: {  	_ =	swait.ge [sflag:s3], $0x80  }
0x42: {  	s9 =	sadd.s32 $0xFFFFFFFF, s9;
	[sflag:s3] =	ssyncset.done $0x0  }
.LBB2_2:
0x43: {  	p0 =	sne.s32 s9, $0x1;
	s9 =	sadd.s32 $0xFFFFFFFF, s9;
	[sflag:s3] =	ssyncadd.s32 $0xFFFFFF80  }
0x44: {  	[tilespmem:s4], [sflag:$0x1] =	stream.linear.gather [hbm4b:s2+s4], $0x400, $0x38;
	[tilespmem:$0x500] =	vst v63  }
0x45: {  	_ =	swait.ge [sflag:s3], $0x400  }
0x46: {  	[sflag:s3] =	ssyncset.done $0x0  }
0x47: {  	[sflag:s3] =	ssyncadd.s32 $0xFFFFFC00  }
0x48: {  	v1 =	vld [tilespmem:$0x0];
	_ =	sdelay $0x1  }
0x49: {  	v2 =	vld [tilespmem:$0x80];
	_ =	sdelay $0x2  }
0x4a: {  	vm0 =	vgt.f32 v1, $-3.000000010e+38;
	v3 =	vld [tilespmem:$0x100]  }
0x4b: {  	v1 =	vnsel vm0, $0xFF61B1E6, v1  }
0x4c: {  	vm0 =	vgt.f32 v2, v1;
	vm1 =	vgt.f32 v2, $-3.000000010e+38  }
0x4d: {  	vm2 =	vmneg vm0;
	v4 =	vnsel vm1, $0xFF61B1E6, v2;
	v5 =	vld [tilespmem:$0x180]  }
0x4e: {  	v4 =	vsel vm2, v4, v1;
	vm1 =	vmand vm1, vm2;
	v1 =	vsel vm2, v1, v2  }
0x4f: {  	v6 =	vsel vm0, $0x1, v0;
	v2 =	vsel vm1, $0x1, v0;
	vm0 =	vgt.f32 v3, v4  }
0x50: {  	vm1 =	vgt.f32 v3, v1;
	v4 =	vsel vm0, v3, v4;
	v2 =	vsel vm0, $0x2, v2;
	v7 =	vld [tilespmem:$0x200]  }
0x51: {  	v4 =	vsel vm1, v1, v4;
	v2 =	vsel vm1, v6, v2;
	v1 =	vsel vm1, v3, v1  }
0x52: {  	v3 =	vsel vm1, $0x2, v6;
	vm0 =	vgt.f32 v5, v4  }
0x53: {  	vm1 =	vgt.f32 v5, v1;
	v4 =	vsel vm0, v5, v4;
	v2 =	vsel vm0, $0x3, v2;
	v6 =	vld [tilespmem:$0x280]  }
0x54: {  	v4 =	vsel vm1, v1, v4;
	v2 =	vsel vm1, v3, v2  }
0x55: {  	v1 =	vsel vm1, v5, v1;
	vm0 =	vgt.f32 v7, v4  }
0x56: {  	vm2 =	vgt.f32 v7, v1;
	v4 =	vsel vm0, v7, v4;
	v2 =	vsel vm0, $0x4, v2;
	v5 =	vld [tilespmem:$0x300]  }
0x57: {  	v4 =	vsel vm2, v1, v4  }
0x58: {  	v3 =	vsel vm1, $0x3, v3;
	v1 =	vsel vm2, v7, v1;
	vm0 =	vgt.f32 v6, v4  }
0x59: {  	v7 =	vsel vm2, $0x4, v3;
	vm1 =	vgt.f32 v6, v1;
	v4 =	vsel vm0, v6, v4;
	v8 =	vld [tilespmem:$0x380]  }
0x5a: {  	v2 =	vsel vm2, v3, v2;
	v3 =	vsel vm1, v1, v4;
	v4 =	vsel vm1, $0x5, v7  }
0x5b: {  	v2 =	vsel vm0, $0x5, v2;
	v1 =	vsel vm1, v6, v1;
	vm0 =	vgt.f32 v5, v3  }
0x5c: {  	v2 =	vsel vm1, v7, v2;
	vm1 =	vgt.f32 v5, v1;
	v3 =	vsel vm0, v5, v3  }
0x5d: {  	v3 =	vsel vm1, v1, v3;
	v1 =	vsel vm1, v5, v1;
	v5 =	vsel vm1, $0x6, v4  }
0x5e: {  	v2 =	vsel vm0, $0x6, v2;
	vm0 =	vgt.f32 v8, v3  }
0x5f: {  	v2 =	vsel vm1, v4, v2;
	vm1 =	vgt.f32 v8, v1;
	v3 =	vsel vm0, v8, v3  }
0x60: {  	v2 =	vsel vm0, $0x7, v2;
	v3 =	vsel vm1, v1, v3;
	v1 =	vsel vm1, v8, v1  }
0x61: {  	v4 =	vsel vm1, $0x7, v5;
	v2 =	vsel vm1, v5, v2;
	v1 =	vsub.f32 v3, v1  }
0x62: {  	[tilespmem:$0x400] =	vst v4  }
0x63: {  	v1 =	vmul.f32 $1.442695020e+00, v1;
	[tilespmem:$0x410] =	vst v2;
	_ =	sdelay $0x1  }
0x64: {  	(erf) = vpow2.f32 v1;
	_ =	sdelay $0x8  }
0x65: {  	v1 =	vpop (erf)  }
0x66: {  	v2 =	vadd.f32 $1.000000000e+00, v1;
	_ =	sdelay $0x1  }
0x67: {  	(erf) = vrcp.f32 v2;
	_ =	sdelay $0x8  }
0x68: {  	v2 =	vpop (erf)  }
0x69: {  	v1 =	vmul.f32 v2, v1;
	[tilespmem:$0x480] =	vst v2;
	_ =	sdelay $0x1  }
0x6a: {  	[tilespmem:$0x490] =	vst v1  }
0x6b: {  	[hbm4b:s5+s4] =	stream.linear.scatter [tilespmem:s6], [sflag:$0x1], $0x80, $0x38;
	[tilespmem:$0x500] =	vst v63  }
0x6c: {  	_ =	swait.ge [sflag:s3], $0x80  }
.Ltmp2:
0x6d: {  	[sflag:s3] =	ssyncset.done $0x0;
	(pc) =	sbr.rel @p0 .LBB2_2-.Ltmp2, $4  }
0x6e: {  	[sflag:s3] =	ssyncadd.s32 $0xFFFFFF80  }
0x6f: {  	[hbm4b:s7+s4] =	stream.linear.scatter [tilespmem:s8], [sflag:$0x1], $0x80, $0x38;
	[tilespmem:$0x500] =	vst v63  }
0x70: {  	_ =	swait.ge [sflag:s3], $0x80  }
0x71: {  	[sflag:s3] =	ssyncset.done $0x0  }
.LBB2_3:
0x72: {  	[sflag:s3] =	ssyncadd.s32 $0xFFFFFF80  }
.LBB2_4:
0x73: {  	_ =	sfence.sel $0x180000  }
0x74: {  	[bflag:$0x0] =	sbarrier.arrive $0xFFFF  }
0x75: {  	p0 =	sne.s32 s0, $0x0;
	_ =	strace $0x90000047  }
0x76: {  	s0 =	sadd.s32 @!p0 $0x100000, s1;
	[bflag:$0x2] =	sbarrier.arrive $0xFFFF  }
0x77: {  	[sflag:s0] =	ssyncadd.tile.s32 @!p0 $0x1;
	_ =	shalt  }
.Lfunc_end2:
_tile_overlayer_lowered:
.L_overlay_start_2:
0x78: {  	(tag) =	ssettag $0x2  }
0x79: {  	s0 =	rddreg [dreg:$0x0];
	s2 =	stileid.u32  }
0x7a: {  	s1 =	rddreg [dreg:$0x1];
	p0 =	sne.s32 s2, $0x0  }
0x7b: {  	s3 =	rddreg [dreg:$0x2];
	[bflag:$0x3] =	sbarrier.arrive $0xFFFF;
	s2 =	simm.s32 @!p0 $0x1C01  }
0x7c: {  	[timem:s3], [sflag:s2] =	dma.local @!p0 [hbm:s0], s1  }
0x7d: {  	s0 =	simm.s32 @!p0 $0x1  }
0x7e: {  	_ =	swait.ge @!p0 [sflag:s0], s1  }
0x7f: {  	s1 =	ssub.s32 @!p0 $0x0, s1;
	[sflag:s0] =	ssyncset.done @!p0 $0x0  }
0x80: {  	[sflag:s0] =	ssyncadd.s32 @!p0 s1  }
0x81: {  	[bflag:$0x3] =	sbarrier.arrive $0xFFFF  }
0x82: {  	_ =	shalt  }

</sc_bundles>
